<compile_context>
chip_gen: v7x
topology: tpu7x:2x2x1
jax: 0.10.2.dev20260603
libtpu: 0.0.44.dev20260713+nightly
codegen_flags: <defaults>
</compile_context>

<pallas_src>
import jax
import jax.numpy as jnp
from jax import lax
from jax.experimental import pallas as pl
from jax.experimental.pallas import tpu as pltpu
from jax.experimental.pallas import tpu_sc as plsc

N = 262144
T = 16
CH = N // T
NV = CH // 16
B1 = 2048
S1 = 11
B2 = 1024
SV = 18
SUB = 4
CSUB = CH // SUB


def _sc_body(coordsT_ref, out_ref, kbuf, vbuf, posbuf, cstage,
             hist, offs, tots, sem, buf_b, grid1, grid2):
    c_id = lax.axis_index("c")
    s_id = lax.axis_index("s")

    @pl.when(c_id == 0)
    def _():
        iota = lax.iota(jnp.int32, 16)
        zeros16 = jnp.zeros((16,), jnp.int32)
        base = s_id * CH
        s_vec = jnp.broadcast_to(s_id, (16,))

        cal, _ = plsc.scan_count(zeros16)
        b0 = jnp.min(cal)
        inc = 1 - b0

        def zero_ref(ref, nb):
            def z(j, _):
                ref[pl.ds(j * 16, 16)] = zeros16
                return 0
            lax.fori_loop(0, nb // 16, z, 0)

        zero_ref(hist, B1)

        def hist_rank(d, i):
            cnt, last = plsc.scan_count(d)
            r = plsc.load_gather(hist, [d])
            posbuf[pl.ds(i * 16, 16)] = r + (cnt - b0)
            plsc.addupdate_scatter(hist, [d], cnt + inc, mask=last)

        def stage(cc):
            p = (cc % 2) * 4 * CSUB
            for c in range(4):
                pltpu.async_copy(
                    coordsT_ref.at[c, pl.ds(base + cc * CSUB, CSUB)],
                    cstage.at[pl.ds(p + c * CSUB, CSUB)], sem)

        def drain():
            for _ in range(4):
                pltpu.make_async_copy(
                    coordsT_ref.at[0, pl.ds(0, CSUB)],
                    cstage.at[pl.ds(0, CSUB)], sem).wait()

        stage(0)
        for cc in range(SUB):
            if cc + 1 < SUB:
                stage(cc + 1)
                drain()
            else:
                drain()
            p = (cc % 2) * 4 * CSUB
            off0 = cc * CSUB

            def keyhist(i2, _):
                for u in range(2):
                    i = i2 * 2 + u
                    b = cstage[pl.ds(p + i * 16, 16)]
                    z = cstage[pl.ds(p + CSUB + i * 16, 16)]
                    y = cstage[pl.ds(p + 2 * CSUB + i * 16, 16)]
                    x = cstage[pl.ds(p + 3 * CSUB + i * 16, 16)]
                    qy = (y * 2731) >> 15
                    ry = y - qy * 12
                    qx = (x * 2731) >> 15
                    rx = x - qx * 12
                    k = (b * 41472 + qy * 13824 + qx * 4608 + ry * 384
                         + rx * 32 + z)
                    kbuf[pl.ds(off0 + i * 16, 16)] = k
                    hist_rank(k & (B1 - 1), off0 // 16 + i)
                return 0

            lax.fori_loop(0, CSUB // 32, keyhist, 0)

        pltpu.sync_copy(hist, grid1.at[pl.ds(s_id * B1, B1)])
        plsc.subcore_barrier()
        if True:
            return

        def compute_offsets(nb, grid):
            for h in range(2):
                pltpu.sync_copy(grid.at[pl.ds(h * 8 * nb, 8 * nb)],
                                cstage.at[pl.ds(0, 8 * nb)])

                def oj(j, _):
                    tot = jnp.zeros((16,), jnp.int32)
                    part = jnp.zeros((16,), jnp.int32)
                    for t8 in range(8):
                        t = h * 8 + t8
                        v = cstage[pl.ds(t8 * nb + j * 16, 16)]
                        tot = tot + v
                        part = part + v * (s_vec > t).astype(jnp.int32)
                    if h == 0:
                        tots[pl.ds(j * 16, 16)] = tot
                        offs[pl.ds(j * 16, 16)] = part
                    else:
                        tots[pl.ds(j * 16, 16)] = tots[pl.ds(j * 16, 16)] + tot
                        offs[pl.ds(j * 16, 16)] = (
                            offs[pl.ds(j * 16, 16)] + part)
                    return 0

                lax.fori_loop(0, nb // 16, oj, 0)

            def sj(j, carry):
                v = tots[pl.ds(j * 16, 16)]
                cs = plsc.cumsum(v)
                offs[pl.ds(j * 16, 16)] = (
                    offs[pl.ds(j * 16, 16)] + cs - v + carry)
                return carry + jnp.max(cs)

            lax.fori_loop(0, nb // 16, sj, jnp.int32(0))

        compute_offsets(B1, grid1)

        def pos1(i4, _):
            for u in range(4):
                i = i4 * 4 + u
                k = kbuf[pl.ds(i * 16, 16)]
                d = k & (B1 - 1)
                o = plsc.load_gather(offs, [d])
                posbuf[pl.ds(i * 16, 16)] = o + posbuf[pl.ds(i * 16, 16)]
                vbuf[pl.ds(i * 16, 16)] = (
                    ((k >> S1) << SV) + (base + i * 16 + iota))
            return 0

        lax.fori_loop(0, NV // 4, pos1, 0)
        pltpu.sync_copy(vbuf, buf_b.at[posbuf])
        plsc.subcore_barrier()

        pltpu.sync_copy(buf_b.at[pl.ds(base, CH)], kbuf)
        zero_ref(hist, B2)

        def h2(i2, _):
            for u in range(2):
                i = i2 * 2 + u
                w = kbuf[pl.ds(i * 16, 16)]
                vbuf[pl.ds(i * 16, 16)] = w & ((1 << SV) - 1)
                hist_rank(w >> SV, i)
            return 0

        lax.fori_loop(0, NV // 2, h2, 0)
        pltpu.sync_copy(hist.at[pl.ds(0, B2)], grid2.at[pl.ds(s_id * B2, B2)])
        plsc.subcore_barrier()
        compute_offsets(B2, grid2)

        def pos2(i4, _):
            for u in range(4):
                i = i4 * 4 + u
                d = kbuf[pl.ds(i * 16, 16)] >> SV
                o = plsc.load_gather(offs, [d])
                posbuf[pl.ds(i * 16, 16)] = o + posbuf[pl.ds(i * 16, 16)]
            return 0

        lax.fori_loop(0, NV // 4, pos2, 0)
        pltpu.sync_copy(vbuf, out_ref.at[posbuf])


@jax.jit
def _impl(coords_t):
    mesh = plsc.VectorSubcoreMesh(core_axis_name="c", subcore_axis_name="s")
    f = pl.kernel(
        _sc_body,
        out_type=jax.ShapeDtypeStruct((N,), jnp.int32),
        mesh=mesh,
        compiler_params=pltpu.CompilerParams(needs_layout_passes=False),
        scratch_types=[
            pltpu.VMEM((CH,), jnp.int32),
            pltpu.VMEM((CH,), jnp.int32),
            pltpu.VMEM((CH,), jnp.int32),
            pltpu.VMEM((8 * CSUB,), jnp.int32),
            pltpu.VMEM((B1,), jnp.int32),
            pltpu.VMEM((B1,), jnp.int32),
            pltpu.VMEM((B1,), jnp.int32),
            pltpu.SemaphoreType.DMA,
            pltpu.VMEM_SHARED((N,), jnp.int32),
            pltpu.VMEM_SHARED((T * B1,), jnp.int32),
            pltpu.VMEM_SHARED((T * B2,), jnp.int32),
        ],
    )
    return f(coords_t)


def kernel(coords, sparse_shape, shifts):
    del sparse_shape, shifts
    return _impl(coords.astype(jnp.int32).T)

# --- scband reference (transcript-rebuilt; emitter-appended) ---
"""Pipeline reference for scband-flatten-windows-serialization-33689723470049 (READ-ONLY COPY).

The authoritative reference and input builder live on the scoring server;
editing this copy changes nothing except your own understanding.
"""

import jax, jax.numpy as jnp
import numpy as np
import math

WINDOW_SHAPE = [12, 12, 32]


def setup_inputs(seed: int = 0):
    key = jax.random.key(seed)
    coords = jax.random.randint(key, (262144, 4), 0, 32, dtype=jnp.int32)
    # sparse_shape is a Python list in (z, y, x) order, as in the torch module;
    # the module reverses it to (x, y, z). shifts is a falsy python int (False).
    return {"coords": coords, "sparse_shape": [32, 468, 468], "shifts": 0}


def reference(coords, sparse_shape, shifts):
    # ndim == 4 branch of FlattenWindowsSerialization.forward with win_version='v3',
    # mapping_name=None (-> 'y' serialization curve).
    coords = coords.astype(jnp.int32)
    window_shape = WINDOW_SHAPE
    ss = sparse_shape[::-1]  # (x, y, z)
    sparse_shape_x, sparse_shape_y, sparse_shape_z = ss
    win_shape_x, win_shape_y, win_shape_z = window_shape
    use_shift = shifts != 0
    shift_x = jnp.where(use_shift, math.ceil(win_shape_x / 2), 0)
    shift_y = jnp.where(use_shift, math.ceil(win_shape_y / 2), 0)
    shift_z = jnp.where(use_shift, math.ceil(win_shape_z / 2), 0)
    max_num_win_x = -(-sparse_shape_x // win_shape_x)
    max_num_win_y = -(-sparse_shape_y // win_shape_y)
    max_num_win_z = -(-sparse_shape_z // win_shape_z)
    max_num_win_per_sample = max_num_win_x * max_num_win_y * max_num_win_z
    x = (coords[:, 3] + shift_x) % sparse_shape_x
    y = (coords[:, 2] + shift_y) % sparse_shape_y
    z = (coords[:, 1] + shift_z) % sparse_shape_z
    win_coors_x = x // win_shape_x
    win_coors_y = y // win_shape_y
    win_coors_z = z // win_shape_z
    coors_in_win_x = x % win_shape_x
    coors_in_win_y = y % win_shape_y
    coors_in_win_z = z % win_shape_z
    batch_win_inds_y = (coords[:, 0] * max_num_win_per_sample
                        + win_coors_y * max_num_win_x * max_num_win_z
                        + win_coors_x * max_num_win_z
                        + win_coors_z)
    coors_in_win = jnp.stack([coors_in_win_z, coors_in_win_y, coors_in_win_x], axis=-1)
    vy = batch_win_inds_y * win_shape_x * win_shape_y * win_shape_z
    vy = vy + (coors_in_win[..., 1] * win_shape_x * win_shape_z
               + coors_in_win[..., 2] * win_shape_z
               + coors_in_win[..., 0])
    coords2curve = jnp.argsort(vy)
    return coords2curve

if __name__ == "__main__":
    import jax
    _d = setup_inputs()
    print(jax.jit(kernel)(*tuple(_d.values())))

</pallas_src>

<mosaic_0001>
#map = affine_map<(d0, d1) -> (0, 0)>
#map1 = affine_map<(d0, d1) -> (0)>
module attributes {stable_mosaic.version = 14 : i64} {
  func.func @_sc_body(%arg0: i32, %arg1: i32, %arg2: memref<4x262144xi32, #tpu.memory_space<hbm>>, %arg3: memref<262144xi32, #tpu.memory_space<hbm>>, %arg4: memref<16384xi32, #tpu.memory_space<vmem>>, %arg5: memref<16384xi32, #tpu.memory_space<vmem>>, %arg6: memref<16384xi32, #tpu.memory_space<vmem>>, %arg7: memref<32768xi32, #tpu.memory_space<vmem>>, %arg8: memref<2048xi32, #tpu.memory_space<vmem>>, %arg9: memref<2048xi32, #tpu.memory_space<vmem>>, %arg10: memref<2048xi32, #tpu.memory_space<vmem>>, %arg11: memref<!tpu.dma_semaphore, #tpu.memory_space<semaphore_mem>>, %arg12: memref<262144xi32, #tpu.memory_space<vmem_shared>>, %arg13: memref<32768xi32, #tpu.memory_space<vmem_shared>>, %arg14: memref<16384xi32, #tpu.memory_space<vmem_shared>>) attributes {dimension_semantics = [#tpu.dimension_semantics<core_parallel>, #tpu.dimension_semantics<subcore_parallel>], iteration_bounds = array<i64: 2, 16>, scalar_prefetch = 0 : i64, scratch_operands = 11 : i64, tpu.core_type = #tpu.core_type<sc_vector_subcore>, window_params = [{transform_indices = #map}, {transform_indices = #map1}]} {
    %eq3A = arith.constant 0 : i32
    %eq3A_0 = arith.cmpi eq, %arg0, %eq3A : i32
    %convert_element_type3A = arith.extui %eq3A_0 : i1 to i32
    %cond3A = arith.constant 0 : i32
    %cond3A_1 = arith.cmpi ne, %convert_element_type3A, %cond3A : i32
    scf.if %cond3A_1 {
      %iota3A = tpu.iota {dimensions = array<i32: 0>} : vector<16xi32>
      %broadcast_in_dim3A = arith.constant 0 : i32
      %broadcast_in_dim3A_2 = vector.broadcast %broadcast_in_dim3A : i32 to vector<16xi32>
      %mul3A = arith.constant 16384 : i32
      %mul3A_3 = arith.muli %arg1, %mul3A : i32
      %broadcast_in_dim3A_4 = vector.broadcast %arg1 : i32 to vector<16xi32>
      %broadcast_in_dim3A_5 = arith.constant true
      %broadcast_in_dim3A_6 = vector.broadcast %broadcast_in_dim3A_5 : i1 to vector<16xi1>
      %unique3A, %unique3A_7 = tpu.scan_count mask(%broadcast_in_dim3A_6 : vector<16xi1>) value(%broadcast_in_dim3A_2 : vector<16xi32>) : vector<16xi1>, vector<16xi32>
      %reduce_min3A = arith.constant true
      %reduce_min3A_8 = vector.broadcast %reduce_min3A : i1 to vector<16xi1>
      %reduce_min3A_9 = arith.constant -2147483648 : i32
      %reduce_min3A_10 = vector.broadcast %reduce_min3A_9 : i32 to vector<16xi32>
      %reduce_min3A_11 = arith.xori %unique3A_7, %reduce_min3A_10 : vector<16xi32>
      %reduce_min3A_12 = tpu.scan <min>, %reduce_min3A_11 masked %reduce_min3A_8 : vector<16xi32>, vector<16xi1> -> vector<16xi32>
      %reduce_min3A_13 = arith.xori %reduce_min3A_12, %reduce_min3A_10 : vector<16xi32>
      %reduce_min3A_14 = vector.extract %reduce_min3A_13[15] : i32 from vector<16xi32>
      %sub3A = arith.constant 1 : i32
      %sub3A_15 = arith.subi %sub3A, %reduce_min3A_14 : i32
      %scan3A = arith.constant 0 : i32
      %scan3A_16 = arith.constant 0 : i32
      %scan3A_17 = arith.constant 128 : i32
      %scan3A_18 = arith.addi %scan3A_16, %scan3A_17 : i32
      %scan3A_19 = arith.constant 1 : i32
      %scan3A_20 = scf.for %scan3A_401 = %scan3A_16 to %scan3A_18 step %scan3A_19 iter_args(%scan3A_402 = %scan3A) -> (i32)  : i32 {
        %mul3A_403 = arith.constant 16 : i32
        %mul3A_404 = arith.muli %scan3A_401, %mul3A_403 : i32
        %swap3A = arith.index_cast %mul3A_404 : i32 to index
        %swap3A_405 = tpu.vector_load %arg8[%swap3A] {strides = array<i32>} : memref<2048xi32, #tpu.memory_space<vmem>>, vector<16xi32>,
        tpu.vector_store %arg8[%swap3A], %broadcast_in_dim3A_2 {strides = array<i32>} : memref<2048xi32, #tpu.memory_space<vmem>>, vector<16xi32>,
        %scan3A_406 = arith.constant 0 : i32
        scf.yield %scan3A_406 : i32
      }
      %scan3A_21 = arith.constant 128 : i32
      %add3A = arith.constant 0 : i32
      %add3A_22 = arith.addi %mul3A_3, %add3A : i32
      %dma_start3A = arith.constant 0 : i32
      %dma_start3A_23 = arith.constant 0 : i32
      %dma_start3A_24 = tpu.memref_slice %arg7[%dma_start3A_23] : memref<32768xi32, #tpu.memory_space<vmem>> -> memref<4096xi32, #tpu.memory_space<vmem>>
      %dma_start3A_25 = tpu.memref_slice %arg2[%dma_start3A, %add3A_22] : memref<4x262144xi32, #tpu.memory_space<hbm>> -> memref<1x4096xi32, #tpu.memory_space<hbm>>
      %dma_start3A_26 = tpu.memref_squeeze %dma_start3A_25 : memref<1x4096xi32, #tpu.memory_space<hbm>> -> memref<4096xi32, #tpu.memory_space<hbm>>
      %dma_start3A_27 = arith.constant 0 : i32
      %dma_start3A_28 = tpu.memref_slice %arg7[%dma_start3A_27] : memref<32768xi32, #tpu.memory_space<vmem>> -> memref<4096xi32, #tpu.memory_space<vmem>>
      %dma_start3A_29 = tpu.memref_slice %arg2[%dma_start3A, %add3A_22] : memref<4x262144xi32, #tpu.memory_space<hbm>> -> memref<1x4096xi32, #tpu.memory_space<hbm>>
      %dma_start3A_30 = tpu.memref_squeeze %dma_start3A_29 : memref<1x4096xi32, #tpu.memory_space<hbm>> -> memref<4096xi32, #tpu.memory_space<hbm>>
      tpu.enqueue_dma source(%dma_start3A_30 : memref<4096xi32, #tpu.memory_space<hbm>>) target(%dma_start3A_28 : memref<4096xi32, #tpu.memory_space<vmem>>) target_semaphore(%arg11 : memref<!tpu.dma_semaphore, #tpu.memory_space<semaphore_mem>>)
      %add3A_31 = arith.constant 0 : i32
      %add3A_32 = arith.addi %mul3A_3, %add3A_31 : i32
      %dma_start3A_33 = arith.constant 1 : i32
      %dma_start3A_34 = arith.constant 4096 : i32
      %dma_start3A_35 = tpu.memref_slice %arg7[%dma_start3A_34] : memref<32768xi32, #tpu.memory_space<vmem>> -> memref<4096xi32, #tpu.memory_space<vmem>>
      %dma_start3A_36 = tpu.memref_slice %arg2[%dma_start3A_33, %add3A_32] : memref<4x262144xi32, #tpu.memory_space<hbm>> -> memref<1x4096xi32, #tpu.memory_space<hbm>>
      %dma_start3A_37 = tpu.memref_squeeze %dma_start3A_36 : memref<1x4096xi32, #tpu.memory_space<hbm>> -> memref<4096xi32, #tpu.memory_space<hbm>>
      %dma_start3A_38 = arith.constant 4096 : i32
      %dma_start3A_39 = tpu.memref_slice %arg7[%dma_start3A_38] : memref<32768xi32, #tpu.memory_space<vmem>> -> memref<4096xi32, #tpu.memory_space<vmem>>
      %dma_start3A_40 = tpu.memref_slice %arg2[%dma_start3A_33, %add3A_32] : memref<4x262144xi32, #tpu.memory_space<hbm>> -> memref<1x4096xi32, #tpu.memory_space<hbm>>
      %dma_start3A_41 = tpu.memref_squeeze %dma_start3A_40 : memref<1x4096xi32, #tpu.memory_space<hbm>> -> memref<4096xi32, #tpu.memory_space<hbm>>
      tpu.enqueue_dma source(%dma_start3A_41 : memref<4096xi32, #tpu.memory_space<hbm>>) target(%dma_start3A_39 : memref<4096xi32, #tpu.memory_space<vmem>>) target_semaphore(%arg11 : memref<!tpu.dma_semaphore, #tpu.memory_space<semaphore_mem>>)
      %add3A_42 = arith.constant 0 : i32
      %add3A_43 = arith.addi %mul3A_3, %add3A_42 : i32
      %dma_start3A_44 = arith.constant 2 : i32
      %dma_start3A_45 = arith.constant 8192 : i32
      %dma_start3A_46 = tpu.memref_slice %arg7[%dma_start3A_45] : memref<32768xi32, #tpu.memory_space<vmem>> -> memref<4096xi32, #tpu.memory_space<vmem>>
      %dma_start3A_47 = tpu.memref_slice %arg2[%dma_start3A_44, %add3A_43] : memref<4x262144xi32, #tpu.memory_space<hbm>> -> memref<1x4096xi32, #tpu.memory_space<hbm>>
      %dma_start3A_48 = tpu.memref_squeeze %dma_start3A_47 : memref<1x4096xi32, #tpu.memory_space<hbm>> -> memref<4096xi32, #tpu.memory_space<hbm>>
      %dma_start3A_49 = arith.constant 8192 : i32
      %dma_start3A_50 = tpu.memref_slice %arg7[%dma_start3A_49] : memref<32768xi32, #tpu.memory_space<vmem>> -> memref<4096xi32, #tpu.memory_space<vmem>>
      %dma_start3A_51 = tpu.memref_slice %arg2[%dma_start3A_44, %add3A_43] : memref<4x262144xi32, #tpu.memory_space<hbm>> -> memref<1x4096xi32, #tpu.memory_space<hbm>>
      %dma_start3A_52 = tpu.memref_squeeze %dma_start3A_51 : memref<1x4096xi32, #tpu.memory_space<hbm>> -> memref<4096xi32, #tpu.memory_space<hbm>>
      tpu.enqueue_dma source(%dma_start3A_52 : memref<4096xi32, #tpu.memory_space<hbm>>) target(%dma_start3A_50 : memref<4096xi32, #tpu.memory_space<vmem>>) target_semaphore(%arg11 : memref<!tpu.dma_semaphore, #tpu.memory_space<semaphore_mem>>)
      %add3A_53 = arith.constant 0 : i32
      %add3A_54 = arith.addi %mul3A_3, %add3A_53 : i32
      %dma_start3A_55 = arith.constant 3 : i32
      %dma_start3A_56 = arith.constant 12288 : i32
      %dma_start3A_57 = tpu.memref_slice %arg7[%dma_start3A_56] : memref<32768xi32, #tpu.memory_space<vmem>> -> memref<4096xi32, #tpu.memory_space<vmem>>
      %dma_start3A_58 = tpu.memref_slice %arg2[%dma_start3A_55, %add3A_54] : memref<4x262144xi32, #tpu.memory_space<hbm>> -> memref<1x4096xi32, #tpu.memory_space<hbm>>
      %dma_start3A_59 = tpu.memref_squeeze %dma_start3A_58 : memref<1x4096xi32, #tpu.memory_space<hbm>> -> memref<4096xi32, #tpu.memory_space<hbm>>
      %dma_start3A_60 = arith.constant 12288 : i32
      %dma_start3A_61 = tpu.memref_slice %arg7[%dma_start3A_60] : memref<32768xi32, #tpu.memory_space<vmem>> -> memref<4096xi32, #tpu.memory_space<vmem>>
      %dma_start3A_62 = tpu.memref_slice %arg2[%dma_start3A_55, %add3A_54] : memref<4x262144xi32, #tpu.memory_space<hbm>> -> memref<1x4096xi32, #tpu.memory_space<hbm>>
      %dma_start3A_63 = tpu.memref_squeeze %dma_start3A_62 : memref<1x4096xi32, #tpu.memory_space<hbm>> -> memref<4096xi32, #tpu.memory_space<hbm>>
      tpu.enqueue_dma source(%dma_start3A_63 : memref<4096xi32, #tpu.memory_space<hbm>>) target(%dma_start3A_61 : memref<4096xi32, #tpu.memory_space<vmem>>) target_semaphore(%arg11 : memref<!tpu.dma_semaphore, #tpu.memory_space<semaphore_mem>>)
      %add3A_64 = arith.constant 4096 : i32
      %add3A_65 = arith.addi %mul3A_3, %add3A_64 : i32
      %dma_start3A_66 = arith.constant 0 : i32
      %dma_start3A_67 = arith.constant 16384 : i32
      %dma_start3A_68 = tpu.memref_slice %arg7[%dma_start3A_67] : memref<32768xi32, #tpu.memory_space<vmem>> -> memref<4096xi32, #tpu.memory_space<vmem>>
      %dma_start3A_69 = tpu.memref_slice %arg2[%dma_start3A_66, %add3A_65] : memref<4x262144xi32, #tpu.memory_space<hbm>> -> memref<1x4096xi32, #tpu.memory_space<hbm>>
      %dma_start3A_70 = tpu.memref_squeeze %dma_start3A_69 : memref<1x4096xi32, #tpu.memory_space<hbm>> -> memref<4096xi32, #tpu.memory_space<hbm>>
      %dma_start3A_71 = arith.constant 16384 : i32
      %dma_start3A_72 = tpu.memref_slice %arg7[%dma_start3A_71] : memref<32768xi32, #tpu.memory_space<vmem>> -> memref<4096xi32, #tpu.memory_space<vmem>>
      %dma_start3A_73 = tpu.memref_slice %arg2[%dma_start3A_66, %add3A_65] : memref<4x262144xi32, #tpu.memory_space<hbm>> -> memref<1x4096xi32, #tpu.memory_space<hbm>>
      %dma_start3A_74 = tpu.memref_squeeze %dma_start3A_73 : memref<1x4096xi32, #tpu.memory_space<hbm>> -> memref<4096xi32, #tpu.memory_space<hbm>>
      tpu.enqueue_dma source(%dma_start3A_74 : memref<4096xi32, #tpu.memory_space<hbm>>) target(%dma_start3A_72 : memref<4096xi32, #tpu.memory_space<vmem>>) target_semaphore(%arg11 : memref<!tpu.dma_semaphore, #tpu.memory_space<semaphore_mem>>)
      %add3A_75 = arith.constant 4096 : i32
      %add3A_76 = arith.addi %mul3A_3, %add3A_75 : i32
      %dma_start3A_77 = arith.constant 1 : i32
      %dma_start3A_78 = arith.constant 20480 : i32
      %dma_start3A_79 = tpu.memref_slice %arg7[%dma_start3A_78] : memref<32768xi32, #tpu.memory_space<vmem>> -> memref<4096xi32, #tpu.memory_space<vmem>>
      %dma_start3A_80 = tpu.memref_slice %arg2[%dma_start3A_77, %add3A_76] : memref<4x262144xi32, #tpu.memory_space<hbm>> -> memref<1x4096xi32, #tpu.memory_space<hbm>>
      %dma_start3A_81 = tpu.memref_squeeze %dma_start3A_80 : memref<1x4096xi32, #tpu.memory_space<hbm>> -> memref<4096xi32, #tpu.memory_space<hbm>>
      %dma_start3A_82 = arith.constant 20480 : i32
      %dma_start3A_83 = tpu.memref_slice %arg7[%dma_start3A_82] : memref<32768xi32, #tpu.memory_space<vmem>> -> memref<4096xi32, #tpu.memory_space<vmem>>
      %dma_start3A_84 = tpu.memref_slice %arg2[%dma_start3A_77, %add3A_76] : memref<4x262144xi32, #tpu.memory_space<hbm>> -> memref<1x4096xi32, #tpu.memory_space<hbm>>
      %dma_start3A_85 = tpu.memref_squeeze %dma_start3A_84 : memref<1x4096xi32, #tpu.memory_space<hbm>> -> memref<4096xi32, #tpu.memory_space<hbm>>
      tpu.enqueue_dma source(%dma_start3A_85 : memref<4096xi32, #tpu.memory_space<hbm>>) target(%dma_start3A_83 : memref<4096xi32, #tpu.memory_space<vmem>>) target_semaphore(%arg11 : memref<!tpu.dma_semaphore, #tpu.memory_space<semaphore_mem>>)
      %add3A_86 = arith.constant 4096 : i32
      %add3A_87 = arith.addi %mul3A_3, %add3A_86 : i32
      %dma_start3A_88 = arith.constant 2 : i32
      %dma_start3A_89 = arith.constant 24576 : i32
      %dma_start3A_90 = tpu.memref_slice %arg7[%dma_start3A_89] : memref<32768xi32, #tpu.memory_space<vmem>> -> memref<4096xi32, #tpu.memory_space<vmem>>
      %dma_start3A_91 = tpu.memref_slice %arg2[%dma_start3A_88, %add3A_87] : memref<4x262144xi32, #tpu.memory_space<hbm>> -> memref<1x4096xi32, #tpu.memory_space<hbm>>
      %dma_start3A_92 = tpu.memref_squeeze %dma_start3A_91 : memref<1x4096xi32, #tpu.memory_space<hbm>> -> memref<4096xi32, #tpu.memory_space<hbm>>
      %dma_start3A_93 = arith.constant 24576 : i32
      %dma_start3A_94 = tpu.memref_slice %arg7[%dma_start3A_93] : memref<32768xi32, #tpu.memory_space<vmem>> -> memref<4096xi32, #tpu.memory_space<vmem>>
      %dma_start3A_95 = tpu.memref_slice %arg2[%dma_start3A_88, %add3A_87] : memref<4x262144xi32, #tpu.memory_space<hbm>> -> memref<1x4096xi32, #tpu.memory_space<hbm>>
      %dma_start3A_96 = tpu.memref_squeeze %dma_start3A_95 : memref<1x4096xi32, #tpu.memory_space<hbm>> -> memref<4096xi32, #tpu.memory_space<hbm>>
      tpu.enqueue_dma source(%dma_start3A_96 : memref<4096xi32, #tpu.memory_space<hbm>>) target(%dma_start3A_94 : memref<4096xi32, #tpu.memory_space<vmem>>) target_semaphore(%arg11 : memref<!tpu.dma_semaphore, #tpu.memory_space<semaphore_mem>>)
      %add3A_97 = arith.constant 4096 : i32
      %add3A_98 = arith.addi %mul3A_3, %add3A_97 : i32
      %dma_start3A_99 = arith.constant 3 : i32
      %dma_start3A_100 = arith.constant 28672 : i32
      %dma_start3A_101 = tpu.memref_slice %arg7[%dma_start3A_100] : memref<32768xi32, #tpu.memory_space<vmem>> -> memref<4096xi32, #tpu.memory_space<vmem>>
      %dma_start3A_102 = tpu.memref_slice %arg2[%dma_start3A_99, %add3A_98] : memref<4x262144xi32, #tpu.memory_space<hbm>> -> memref<1x4096xi32, #tpu.memory_space<hbm>>
      %dma_start3A_103 = tpu.memref_squeeze %dma_start3A_102 : memref<1x4096xi32, #tpu.memory_space<hbm>> -> memref<4096xi32, #tpu.memory_space<hbm>>
      %dma_start3A_104 = arith.constant 28672 : i32
      %dma_start3A_105 = tpu.memref_slice %arg7[%dma_start3A_104] : memref<32768xi32, #tpu.memory_space<vmem>> -> memref<4096xi32, #tpu.memory_space<vmem>>
      %dma_start3A_106 = tpu.memref_slice %arg2[%dma_start3A_99, %add3A_98] : memref<4x262144xi32, #tpu.memory_space<hbm>> -> memref<1x4096xi32, #tpu.memory_space<hbm>>
      %dma_start3A_107 = tpu.memref_squeeze %dma_start3A_106 : memref<1x4096xi32, #tpu.memory_space<hbm>> -> memref<4096xi32, #tpu.memory_space<hbm>>
      tpu.enqueue_dma source(%dma_start3A_107 : memref<4096xi32, #tpu.memory_space<hbm>>) target(%dma_start3A_105 : memref<4096xi32, #tpu.memory_space<vmem>>) target_semaphore(%arg11 : memref<!tpu.dma_semaphore, #tpu.memory_space<semaphore_mem>>)
      %dma_wait3A = arith.constant 0 : i32
      %dma_wait3A_108 = arith.constant 0 : i32
      %dma_wait3A_109 = tpu.memref_slice %arg7[%dma_wait3A_108] : memref<32768xi32, #tpu.memory_space<vmem>> -> memref<4096xi32, #tpu.memory_space<vmem>>
      %dma_wait3A_110 = arith.constant 0 : i32
      %dma_wait3A_111 = tpu.memref_slice %arg2[%dma_wait3A, %dma_wait3A_110] : memref<4x262144xi32, #tpu.memory_space<hbm>> -> memref<1x4096xi32, #tpu.memory_space<hbm>>
      %dma_wait3A_112 = tpu.memref_squeeze %dma_wait3A_111 : memref<1x4096xi32, #tpu.memory_space<hbm>> -> memref<4096xi32, #tpu.memory_space<hbm>>
      %dma_wait3A_113 = arith.constant 0 : i32
      %dma_wait3A_114 = tpu.memref_slice %arg7[%dma_wait3A_113] : memref<32768xi32, #tpu.memory_space<vmem>> -> memref<4096xi32, #tpu.memory_space<vmem>>
      %dma_wait3A_115 = arith.constant 0 : i32
      %dma_wait3A_116 = tpu.memref_slice %arg2[%dma_wait3A, %dma_wait3A_115] : memref<4x262144xi32, #tpu.memory_space<hbm>> -> memref<1x4096xi32, #tpu.memory_space<hbm>>
      %dma_wait3A_117 = tpu.memref_squeeze %dma_wait3A_116 : memref<1x4096xi32, #tpu.memory_space<hbm>> -> memref<4096xi32, #tpu.memory_space<hbm>>
      tpu.wait_dma2 semaphore(%arg11 : memref<!tpu.dma_semaphore, #tpu.memory_space<semaphore_mem>>) src(%dma_wait3A_117 : memref<4096xi32, #tpu.memory_space<hbm>>) dst(%dma_wait3A_114 : memref<4096xi32, #tpu.memory_space<vmem>>)
      %dma_wait3A_118 = arith.constant 0 : i32
      %dma_wait3A_119 = arith.constant 0 : i32
      %dma_wait3A_120 = tpu.memref_slice %arg7[%dma_wait3A_119] : memref<32768xi32, #tpu.memory_space<vmem>> -> memref<4096xi32, #tpu.memory_space<vmem>>
      %dma_wait3A_121 = arith.constant 0 : i32
      %dma_wait3A_122 = tpu.memref_slice %arg2[%dma_wait3A_118, %dma_wait3A_121] : memref<4x262144xi32, #tpu.memory_space<hbm>> -> memref<1x4096xi32, #tpu.memory_space<hbm>>
      %dma_wait3A_123 = tpu.memref_squeeze %dma_wait3A_122 : memref<1x4096xi32, #tpu.memory_space<hbm>> -> memref<4096xi32, #tpu.memory_space<hbm>>
      %dma_wait3A_124 = arith.constant 0 : i32
      %dma_wait3A_125 = tpu.memref_slice %arg7[%dma_wait3A_124] : memref<32768xi32, #tpu.memory_space<vmem>> -> memref<4096xi32, #tpu.memory_space<vmem>>
      %dma_wait3A_126 = arith.constant 0 : i32
      %dma_wait3A_127 = tpu.memref_slice %arg2[%dma_wait3A_118, %dma_wait3A_126] : memref<4x262144xi32, #tpu.memory_space<hbm>> -> memref<1x4096xi32, #tpu.memory_space<hbm>>
      %dma_wait3A_128 = tpu.memref_squeeze %dma_wait3A_127 : memref<1x4096xi32, #tpu.memory_space<hbm>> -> memref<4096xi32, #tpu.memory_space<hbm>>
      tpu.wait_dma2 semaphore(%arg11 : memref<!tpu.dma_semaphore, #tpu.memory_space<semaphore_mem>>) src(%dma_wait3A_128 : memref<4096xi32, #tpu.memory_space<hbm>>) dst(%dma_wait3A_125 : memref<4096xi32, #tpu.memory_space<vmem>>)
      %dma_wait3A_129 = arith.constant 0 : i32
      %dma_wait3A_130 = arith.constant 0 : i32
      %dma_wait3A_131 = tpu.memref_slice %arg7[%dma_wait3A_130] : memref<32768xi32, #tpu.memory_space<vmem>> -> memref<4096xi32, #tpu.memory_space<vmem>>
      %dma_wait3A_132 = arith.constant 0 : i32
      %dma_wait3A_133 = tpu.memref_slice %arg2[%dma_wait3A_129, %dma_wait3A_132] : memref<4x262144xi32, #tpu.memory_space<hbm>> -> memref<1x4096xi32, #tpu.memory_space<hbm>>
      %dma_wait3A_134 = tpu.memref_squeeze %dma_wait3A_133 : memref<1x4096xi32, #tpu.memory_space<hbm>> -> memref<4096xi32, #tpu.memory_space<hbm>>
      %dma_wait3A_135 = arith.constant 0 : i32
      %dma_wait3A_136 = tpu.memref_slice %arg7[%dma_wait3A_135] : memref<32768xi32, #tpu.memory_space<vmem>> -> memref<4096xi32, #tpu.memory_space<vmem>>
      %dma_wait3A_137 = arith.constant 0 : i32
      %dma_wait3A_138 = tpu.memref_slice %arg2[%dma_wait3A_129, %dma_wait3A_137] : memref<4x262144xi32, #tpu.memory_space<hbm>> -> memref<1x4096xi32, #tpu.memory_space<hbm>>
      %dma_wait3A_139 = tpu.memref_squeeze %dma_wait3A_138 : memref<1x4096xi32, #tpu.memory_space<hbm>> -> memref<4096xi32, #tpu.memory_space<hbm>>
      tpu.wait_dma2 semaphore(%arg11 : memref<!tpu.dma_semaphore, #tpu.memory_space<semaphore_mem>>) src(%dma_wait3A_139 : memref<4096xi32, #tpu.memory_space<hbm>>) dst(%dma_wait3A_136 : memref<4096xi32, #tpu.memory_space<vmem>>)
      %dma_wait3A_140 = arith.constant 0 : i32
      %dma_wait3A_141 = arith.constant 0 : i32
      %dma_wait3A_142 = tpu.memref_slice %arg7[%dma_wait3A_141] : memref<32768xi32, #tpu.memory_space<vmem>> -> memref<4096xi32, #tpu.memory_space<vmem>>
      %dma_wait3A_143 = arith.constant 0 : i32
      %dma_wait3A_144 = tpu.memref_slice %arg2[%dma_wait3A_140, %dma_wait3A_143] : memref<4x262144xi32, #tpu.memory_space<hbm>> -> memref<1x4096xi32, #tpu.memory_space<hbm>>
      %dma_wait3A_145 = tpu.memref_squeeze %dma_wait3A_144 : memref<1x4096xi32, #tpu.memory_space<hbm>> -> memref<4096xi32, #tpu.memory_space<hbm>>
      %dma_wait3A_146 = arith.constant 0 : i32
      %dma_wait3A_147 = tpu.memref_slice %arg7[%dma_wait3A_146] : memref<32768xi32, #tpu.memory_space<vmem>> -> memref<4096xi32, #tpu.memory_space<vmem>>
      %dma_wait3A_148 = arith.constant 0 : i32
      %dma_wait3A_149 = tpu.memref_slice %arg2[%dma_wait3A_140, %dma_wait3A_148] : memref<4x262144xi32, #tpu.memory_space<hbm>> -> memref<1x4096xi32, #tpu.memory_space<hbm>>
      %dma_wait3A_150 = tpu.memref_squeeze %dma_wait3A_149 : memref<1x4096xi32, #tpu.memory_space<hbm>> -> memref<4096xi32, #tpu.memory_space<hbm>>
      tpu.wait_dma2 semaphore(%arg11 : memref<!tpu.dma_semaphore, #tpu.memory_space<semaphore_mem>>) src(%dma_wait3A_150 : memref<4096xi32, #tpu.memory_space<hbm>>) dst(%dma_wait3A_147 : memref<4096xi32, #tpu.memory_space<vmem>>)
      %scan3A_151 = arith.constant 0 : i32
      %scan3A_152 = arith.constant 0 : i32
      %scan3A_153 = arith.constant 128 : i32
      %scan3A_154 = arith.addi %scan3A_152, %scan3A_153 : i32
      %scan3A_155 = arith.constant 1 : i32
      %scan3A_156 = scf.for %scan3A_401 = %scan3A_152 to %scan3A_154 step %scan3A_155 iter_args(%scan3A_402 = %scan3A_151) -> (i32)  : i32 {
        %mul3A_403 = arith.constant 2 : i32
        %mul3A_404 = arith.muli %scan3A_401, %mul3A_403 : i32
        %add3A_405 = arith.constant 0 : i32
        %add3A_406 = arith.addi %mul3A_404, %add3A_405 : i32
        %mul3A_407 = arith.constant 16 : i32
        %mul3A_408 = arith.muli %add3A_406, %mul3A_407 : i32
        %add3A_409 = arith.constant 0 : i32
        %add3A_410 = arith.addi %add3A_409, %mul3A_408 : i32
        %get3A = arith.index_cast %add3A_410 : i32 to index
        %get3A_411 = tpu.vector_load %arg7[%get3A] {strides = array<i32>} : memref<32768xi32, #tpu.memory_space<vmem>>, vector<16xi32>,
        %mul3A_412 = arith.constant 16 : i32
        %mul3A_413 = arith.muli %add3A_406, %mul3A_412 : i32
        %add3A_414 = arith.constant 4096 : i32
        %add3A_415 = arith.addi %add3A_414, %mul3A_413 : i32
        %get3A_416 = arith.index_cast %add3A_415 : i32 to index
        %get3A_417 = tpu.vector_load %arg7[%get3A_416] {strides = array<i32>} : memref<32768xi32, #tpu.memory_space<vmem>>, vector<16xi32>,
        %mul3A_418 = arith.constant 16 : i32
        %mul3A_419 = arith.muli %add3A_406, %mul3A_418 : i32
        %add3A_420 = arith.constant 8192 : i32
        %add3A_421 = arith.addi %add3A_420, %mul3A_419 : i32
        %get3A_422 = arith.index_cast %add3A_421 : i32 to index
        %get3A_423 = tpu.vector_load %arg7[%get3A_422] {strides = array<i32>} : memref<32768xi32, #tpu.memory_space<vmem>>, vector<16xi32>,
        %mul3A_424 = arith.constant 16 : i32
        %mul3A_425 = arith.muli %add3A_406, %mul3A_424 : i32
        %add3A_426 = arith.constant 12288 : i32
        %add3A_427 = arith.addi %add3A_426, %mul3A_425 : i32
        %get3A_428 = arith.index_cast %add3A_427 : i32 to index
        %get3A_429 = tpu.vector_load %arg7[%get3A_428] {strides = array<i32>} : memref<32768xi32, #tpu.memory_space<vmem>>, vector<16xi32>,
        %mul3A_430 = arith.constant 2731 : i32
        %mul3A_431 = vector.broadcast %mul3A_430 : i32 to vector<16xi32>
        %mul3A_432 = arith.muli %get3A_423, %mul3A_431 : vector<16xi32>
        %shift_right_arithmetic3A = arith.constant 15 : i32
        %shift_right_arithmetic3A_433 = vector.broadcast %shift_right_arithmetic3A : i32 to vector<16xi32>
        %shift_right_arithmetic3A_434 = arith.shrsi %mul3A_432, %shift_right_arithmetic3A_433 : vector<16xi32>
        %mul3A_435 = arith.constant 12 : i32
        %mul3A_436 = vector.broadcast %mul3A_435 : i32 to vector<16xi32>
        %mul3A_437 = arith.muli %shift_right_arithmetic3A_434, %mul3A_436 : vector<16xi32>
        %sub3A_438 = arith.subi %get3A_423, %mul3A_437 : vector<16xi32>
        %mul3A_439 = arith.constant 2731 : i32
        %mul3A_440 = vector.broadcast %mul3A_439 : i32 to vector<16xi32>
        %mul3A_441 = arith.muli %get3A_429, %mul3A_440 : vector<16xi32>
        %shift_right_arithmetic3A_442 = arith.constant 15 : i32
        %shift_right_arithmetic3A_443 = vector.broadcast %shift_right_arithmetic3A_442 : i32 to vector<16xi32>
        %shift_right_arithmetic3A_444 = arith.shrsi %mul3A_441, %shift_right_arithmetic3A_443 : vector<16xi32>
        %mul3A_445 = arith.constant 12 : i32
        %mul3A_446 = vector.broadcast %mul3A_445 : i32 to vector<16xi32>
        %mul3A_447 = arith.muli %shift_right_arithmetic3A_444, %mul3A_446 : vector<16xi32>
        %sub3A_448 = arith.subi %get3A_429, %mul3A_447 : vector<16xi32>
        %mul3A_449 = arith.constant 41472 : i32
        %mul3A_450 = vector.broadcast %mul3A_449 : i32 to vector<16xi32>
        %mul3A_451 = arith.muli %get3A_411, %mul3A_450 : vector<16xi32>
        %mul3A_452 = arith.constant 13824 : i32
        %mul3A_453 = vector.broadcast %mul3A_452 : i32 to vector<16xi32>
        %mul3A_454 = arith.muli %shift_right_arithmetic3A_434, %mul3A_453 : vector<16xi32>
        %add3A_455 = arith.addi %mul3A_451, %mul3A_454 : vector<16xi32>
        %mul3A_456 = arith.constant 4608 : i32
        %mul3A_457 = vector.broadcast %mul3A_456 : i32 to vector<16xi32>
        %mul3A_458 = arith.muli %shift_right_arithmetic3A_444, %mul3A_457 : vector<16xi32>
        %add3A_459 = arith.addi %add3A_455, %mul3A_458 : vector<16xi32>
        %mul3A_460 = arith.constant 384 : i32
        %mul3A_461 = vector.broadcast %mul3A_460 : i32 to vector<16xi32>
        %mul3A_462 = arith.muli %sub3A_438, %mul3A_461 : vector<16xi32>
        %add3A_463 = arith.addi %add3A_459, %mul3A_462 : vector<16xi32>
        %mul3A_464 = arith.constant 32 : i32
        %mul3A_465 = vector.broadcast %mul3A_464 : i32 to vector<16xi32>
        %mul3A_466 = arith.muli %sub3A_448, %mul3A_465 : vector<16xi32>
        %add3A_467 = arith.addi %add3A_463, %mul3A_466 : vector<16xi32>
        %add3A_468 = arith.addi %add3A_467, %get3A_417 : vector<16xi32>
        %mul3A_469 = arith.constant 16 : i32
        %mul3A_470 = arith.muli %add3A_406, %mul3A_469 : i32
        %add3A_471 = arith.constant 0 : i32
        %add3A_472 = arith.addi %add3A_471, %mul3A_470 : i32
        %swap3A = arith.index_cast %add3A_472 : i32 to index
        %swap3A_473 = tpu.vector_load %arg4[%swap3A] {strides = array<i32>} : memref<16384xi32, #tpu.memory_space<vmem>>, vector<16xi32>,
        tpu.vector_store %arg4[%swap3A], %add3A_468 {strides = array<i32>} : memref<16384xi32, #tpu.memory_space<vmem>>, vector<16xi32>,
        %and3A = arith.constant 2047 : i32
        %and3A_474 = vector.broadcast %and3A : i32 to vector<16xi32>
        %and3A_475 = arith.andi %add3A_468, %and3A_474 : vector<16xi32>
        %add3A_476 = arith.constant 0 : i32
        %add3A_477 = arith.addi %add3A_476, %add3A_406 : i32
        %broadcast_in_dim3A_478 = arith.constant true
        %broadcast_in_dim3A_479 = vector.broadcast %broadcast_in_dim3A_478 : i1 to vector<16xi1>
        %unique3A_480, %unique3A_481 = tpu.scan_count mask(%broadcast_in_dim3A_479 : vector<16xi1>) value(%and3A_475 : vector<16xi32>) : vector<16xi1>, vector<16xi32>
        %gather3A = tpu.vector_load_idx %arg8[%and3A_475] : memref<2048xi32, #tpu.memory_space<vmem>>[vector<16xi32>], vector<16xi32>,
        %sub3A_482 = vector.broadcast %reduce_min3A_14 : i32 to vector<16xi32>
        %sub3A_483 = arith.subi %unique3A_481, %sub3A_482 : vector<16xi32>
        %add3A_484 = arith.addi %gather3A, %sub3A_483 : vector<16xi32>
        %mul3A_485 = arith.constant 16 : i32
        %mul3A_486 = arith.muli %add3A_477, %mul3A_485 : i32
        %swap3A_487 = arith.index_cast %mul3A_486 : i32 to index
        %swap3A_488 = tpu.vector_load %arg6[%swap3A_487] {strides = array<i32>} : memref<16384xi32, #tpu.memory_space<vmem>>, vector<16xi32>,
        tpu.vector_store %arg6[%swap3A_487], %add3A_484 {strides = array<i32>} : memref<16384xi32, #tpu.memory_space<vmem>>, vector<16xi32>,
        %add3A_489 = vector.broadcast %sub3A_15 : i32 to vector<16xi32>
        %add3A_490 = arith.addi %unique3A_481, %add3A_489 : vector<16xi32>
        tpu.vector_store_idx %arg8[%and3A_475], %add3A_490 masked %unique3A_480 {add = true} : memref<2048xi32, #tpu.memory_space<vmem>>[vector<16xi32>], vector<16xi32>, vector<16xi1>
        %mul3A_491 = arith.constant 2 : i32
        %mul3A_492 = arith.muli %scan3A_401, %mul3A_491 : i32
        %add3A_493 = arith.constant 1 : i32
        %add3A_494 = arith.addi %mul3A_492, %add3A_493 : i32
        %mul3A_495 = arith.constant 16 : i32
        %mul3A_496 = arith.muli %add3A_494, %mul3A_495 : i32
        %add3A_497 = arith.constant 0 : i32
        %add3A_498 = arith.addi %add3A_497, %mul3A_496 : i32
        %get3A_499 = arith.index_cast %add3A_498 : i32 to index
        %get3A_500 = tpu.vector_load %arg7[%get3A_499] {strides = array<i32>} : memref<32768xi32, #tpu.memory_space<vmem>>, vector<16xi32>,
        %mul3A_501 = arith.constant 16 : i32
        %mul3A_502 = arith.muli %add3A_494, %mul3A_501 : i32
        %add3A_503 = arith.constant 4096 : i32
        %add3A_504 = arith.addi %add3A_503, %mul3A_502 : i32
        %get3A_505 = arith.index_cast %add3A_504 : i32 to index
        %get3A_506 = tpu.vector_load %arg7[%get3A_505] {strides = array<i32>} : memref<32768xi32, #tpu.memory_space<vmem>>, vector<16xi32>,
        %mul3A_507 = arith.constant 16 : i32
        %mul3A_508 = arith.muli %add3A_494, %mul3A_507 : i32
        %add3A_509 = arith.constant 8192 : i32
        %add3A_510 = arith.addi %add3A_509, %mul3A_508 : i32
        %get3A_511 = arith.index_cast %add3A_510 : i32 to index
        %get3A_512 = tpu.vector_load %arg7[%get3A_511] {strides = array<i32>} : memref<32768xi32, #tpu.memory_space<vmem>>, vector<16xi32>,
        %mul3A_513 = arith.constant 16 : i32
        %mul3A_514 = arith.muli %add3A_494, %mul3A_513 : i32
        %add3A_515 = arith.constant 12288 : i32
        %add3A_516 = arith.addi %add3A_515, %mul3A_514 : i32
        %get3A_517 = arith.index_cast %add3A_516 : i32 to index
        %get3A_518 = tpu.vector_load %arg7[%get3A_517] {strides = array<i32>} : memref<32768xi32, #tpu.memory_space<vmem>>, vector<16xi32>,
        %mul3A_519 = arith.constant 2731 : i32
        %mul3A_520 = vector.broadcast %mul3A_519 : i32 to vector<16xi32>
        %mul3A_521 = arith.muli %get3A_512, %mul3A_520 : vector<16xi32>
        %shift_right_arithmetic3A_522 = arith.constant 15 : i32
        %shift_right_arithmetic3A_523 = vector.broadcast %shift_right_arithmetic3A_522 : i32 to vector<16xi32>
        %shift_right_arithmetic3A_524 = arith.shrsi %mul3A_521, %shift_right_arithmetic3A_523 : vector<16xi32>
        %mul3A_525 = arith.constant 12 : i32
        %mul3A_526 = vector.broadcast %mul3A_525 : i32 to vector<16xi32>
        %mul3A_527 = arith.muli %shift_right_arithmetic3A_524, %mul3A_526 : vector<16xi32>
        %sub3A_528 = arith.subi %get3A_512, %mul3A_527 : vector<16xi32>
        %mul3A_529 = arith.constant 2731 : i32
        %mul3A_530 = vector.broadcast %mul3A_529 : i32 to vector<16xi32>
        %mul3A_531 = arith.muli %get3A_518, %mul3A_530 : vector<16xi32>
        %shift_right_arithmetic3A_532 = arith.constant 15 : i32
        %shift_right_arithmetic3A_533 = vector.broadcast %shift_right_arithmetic3A_532 : i32 to vector<16xi32>
        %shift_right_arithmetic3A_534 = arith.shrsi %mul3A_531, %shift_right_arithmetic3A_533 : vector<16xi32>
        %mul3A_535 = arith.constant 12 : i32
        %mul3A_536 = vector.broadcast %mul3A_535 : i32 to vector<16xi32>
        %mul3A_537 = arith.muli %shift_right_arithmetic3A_534, %mul3A_536 : vector<16xi32>
        %sub3A_538 = arith.subi %get3A_518, %mul3A_537 : vector<16xi32>
        %mul3A_539 = arith.constant 41472 : i32
        %mul3A_540 = vector.broadcast %mul3A_539 : i32 to vector<16xi32>
        %mul3A_541 = arith.muli %get3A_500, %mul3A_540 : vector<16xi32>
        %mul3A_542 = arith.constant 13824 : i32
        %mul3A_543 = vector.broadcast %mul3A_542 : i32 to vector<16xi32>
        %mul3A_544 = arith.muli %shift_right_arithmetic3A_524, %mul3A_543 : vector<16xi32>
        %add3A_545 = arith.addi %mul3A_541, %mul3A_544 : vector<16xi32>
        %mul3A_546 = arith.constant 4608 : i32
        %mul3A_547 = vector.broadcast %mul3A_546 : i32 to vector<16xi32>
        %mul3A_548 = arith.muli %shift_right_arithmetic3A_534, %mul3A_547 : vector<16xi32>
        %add3A_549 = arith.addi %add3A_545, %mul3A_548 : vector<16xi32>
        %mul3A_550 = arith.constant 384 : i32
        %mul3A_551 = vector.broadcast %mul3A_550 : i32 to vector<16xi32>
        %mul3A_552 = arith.muli %sub3A_528, %mul3A_551 : vector<16xi32>
        %add3A_553 = arith.addi %add3A_549, %mul3A_552 : vector<16xi32>
        %mul3A_554 = arith.constant 32 : i32
        %mul3A_555 = vector.broadcast %mul3A_554 : i32 to vector<16xi32>
        %mul3A_556 = arith.muli %sub3A_538, %mul3A_555 : vector<16xi32>
        %add3A_557 = arith.addi %add3A_553, %mul3A_556 : vector<16xi32>
        %add3A_558 = arith.addi %add3A_557, %get3A_506 : vector<16xi32>
        %mul3A_559 = arith.constant 16 : i32
        %mul3A_560 = arith.muli %add3A_494, %mul3A_559 : i32
        %add3A_561 = arith.constant 0 : i32
        %add3A_562 = arith.addi %add3A_561, %mul3A_560 : i32
        %swap3A_563 = arith.index_cast %add3A_562 : i32 to index
        %swap3A_564 = tpu.vector_load %arg4[%swap3A_563] {strides = array<i32>} : memref<16384xi32, #tpu.memory_space<vmem>>, vector<16xi32>,
        tpu.vector_store %arg4[%swap3A_563], %add3A_558 {strides = array<i32>} : memref<16384xi32, #tpu.memory_space<vmem>>, vector<16xi32>,
        %and3A_565 = arith.constant 2047 : i32
        %and3A_566 = vector.broadcast %and3A_565 : i32 to vector<16xi32>
        %and3A_567 = arith.andi %add3A_558, %and3A_566 : vector<16xi32>
        %add3A_568 = arith.constant 0 : i32
        %add3A_569 = arith.addi %add3A_568, %add3A_494 : i32
        %broadcast_in_dim3A_570 = arith.constant true
        %broadcast_in_dim3A_571 = vector.broadcast %broadcast_in_dim3A_570 : i1 to vector<16xi1>
        %unique3A_572, %unique3A_573 = tpu.scan_count mask(%broadcast_in_dim3A_571 : vector<16xi1>) value(%and3A_567 : vector<16xi32>) : vector<16xi1>, vector<16xi32>
        %gather3A_574 = tpu.vector_load_idx %arg8[%and3A_567] : memref<2048xi32, #tpu.memory_space<vmem>>[vector<16xi32>], vector<16xi32>,
        %sub3A_575 = vector.broadcast %reduce_min3A_14 : i32 to vector<16xi32>
        %sub3A_576 = arith.subi %unique3A_573, %sub3A_575 : vector<16xi32>
        %add3A_577 = arith.addi %gather3A_574, %sub3A_576 : vector<16xi32>
        %mul3A_578 = arith.constant 16 : i32
        %mul3A_579 = arith.muli %add3A_569, %mul3A_578 : i32
        %swap3A_580 = arith.index_cast %mul3A_579 : i32 to index
        %swap3A_581 = tpu.vector_load %arg6[%swap3A_580] {strides = array<i32>} : memref<16384xi32, #tpu.memory_space<vmem>>, vector<16xi32>,
        tpu.vector_store %arg6[%swap3A_580], %add3A_577 {strides = array<i32>} : memref<16384xi32, #tpu.memory_space<vmem>>, vector<16xi32>,
        %add3A_582 = vector.broadcast %sub3A_15 : i32 to vector<16xi32>
        %add3A_583 = arith.addi %unique3A_573, %add3A_582 : vector<16xi32>
        tpu.vector_store_idx %arg8[%and3A_567], %add3A_583 masked %unique3A_572 {add = true} : memref<2048xi32, #tpu.memory_space<vmem>>[vector<16xi32>], vector<16xi32>, vector<16xi1>
        %scan3A_584 = arith.constant 0 : i32
        scf.yield %scan3A_584 : i32
      }
      %scan3A_157 = arith.constant 128 : i32
      %add3A_158 = arith.constant 8192 : i32
      %add3A_159 = arith.addi %mul3A_3, %add3A_158 : i32
      %dma_start3A_160 = arith.constant 0 : i32
      %dma_start3A_161 = arith.constant 0 : i32
      %dma_start3A_162 = tpu.memref_slice %arg7[%dma_start3A_161] : memref<32768xi32, #tpu.memory_space<vmem>> -> memref<4096xi32, #tpu.memory_space<vmem>>
      %dma_start3A_163 = tpu.memref_slice %arg2[%dma_start3A_160, %add3A_159] : memref<4x262144xi32, #tpu.memory_space<hbm>> -> memref<1x4096xi32, #tpu.memory_space<hbm>>
      %dma_start3A_164 = tpu.memref_squeeze %dma_start3A_163 : memref<1x4096xi32, #tpu.memory_space<hbm>> -> memref<4096xi32, #tpu.memory_space<hbm>>
      %dma_start3A_165 = arith.constant 0 : i32
      %dma_start3A_166 = tpu.memref_slice %arg7[%dma_start3A_165] : memref<32768xi32, #tpu.memory_space<vmem>> -> memref<4096xi32, #tpu.memory_space<vmem>>
      %dma_start3A_167 = tpu.memref_slice %arg2[%dma_start3A_160, %add3A_159] : memref<4x262144xi32, #tpu.memory_space<hbm>> -> memref<1x4096xi32, #tpu.memory_space<hbm>>
      %dma_start3A_168 = tpu.memref_squeeze %dma_start3A_167 : memref<1x4096xi32, #tpu.memory_space<hbm>> -> memref<4096xi32, #tpu.memory_space<hbm>>
      tpu.enqueue_dma source(%dma_start3A_168 : memref<4096xi32, #tpu.memory_space<hbm>>) target(%dma_start3A_166 : memref<4096xi32, #tpu.memory_space<vmem>>) target_semaphore(%arg11 : memref<!tpu.dma_semaphore, #tpu.memory_space<semaphore_mem>>)
      %add3A_169 = arith.constant 8192 : i32
      %add3A_170 = arith.addi %mul3A_3, %add3A_169 : i32
      %dma_start3A_171 = arith.constant 1 : i32
      %dma_start3A_172 = arith.constant 4096 : i32
      %dma_start3A_173 = tpu.memref_slice %arg7[%dma_start3A_172] : memref<32768xi32, #tpu.memory_space<vmem>> -> memref<4096xi32, #tpu.memory_space<vmem>>
      %dma_start3A_174 = tpu.memref_slice %arg2[%dma_start3A_171, %add3A_170] : memref<4x262144xi32, #tpu.memory_space<hbm>> -> memref<1x4096xi32, #tpu.memory_space<hbm>>
      %dma_start3A_175 = tpu.memref_squeeze %dma_start3A_174 : memref<1x4096xi32, #tpu.memory_space<hbm>> -> memref<4096xi32, #tpu.memory_space<hbm>>
      %dma_start3A_176 = arith.constant 4096 : i32
      %dma_start3A_177 = tpu.memref_slice %arg7[%dma_start3A_176] : memref<32768xi32, #tpu.memory_space<vmem>> -> memref<4096xi32, #tpu.memory_space<vmem>>
      %dma_start3A_178 = tpu.memref_slice %arg2[%dma_start3A_171, %add3A_170] : memref<4x262144xi32, #tpu.memory_space<hbm>> -> memref<1x4096xi32, #tpu.memory_space<hbm>>
      %dma_start3A_179 = tpu.memref_squeeze %dma_start3A_178 : memref<1x4096xi32, #tpu.memory_space<hbm>> -> memref<4096xi32, #tpu.memory_space<hbm>>
      tpu.enqueue_dma source(%dma_start3A_179 : memref<4096xi32, #tpu.memory_space<hbm>>) target(%dma_start3A_177 : memref<4096xi32, #tpu.memory_space<vmem>>) target_semaphore(%arg11 : memref<!tpu.dma_semaphore, #tpu.memory_space<semaphore_mem>>)
      %add3A_180 = arith.constant 8192 : i32
      %add3A_181 = arith.addi %mul3A_3, %add3A_180 : i32
      %dma_start3A_182 = arith.constant 2 : i32
      %dma_start3A_183 = arith.constant 8192 : i32
      %dma_start3A_184 = tpu.memref_slice %arg7[%dma_start3A_183] : memref<32768xi32, #tpu.memory_space<vmem>> -> memref<4096xi32, #tpu.memory_space<vmem>>
      %dma_start3A_185 = tpu.memref_slice %arg2[%dma_start3A_182, %add3A_181] : memref<4x262144xi32, #tpu.memory_space<hbm>> -> memref<1x4096xi32, #tpu.memory_space<hbm>>
      %dma_start3A_186 = tpu.memref_squeeze %dma_start3A_185 : memref<1x4096xi32, #tpu.memory_space<hbm>> -> memref<4096xi32, #tpu.memory_space<hbm>>
      %dma_start3A_187 = arith.constant 8192 : i32
      %dma_start3A_188 = tpu.memref_slice %arg7[%dma_start3A_187] : memref<32768xi32, #tpu.memory_space<vmem>> -> memref<4096xi32, #tpu.memory_space<vmem>>
      %dma_start3A_189 = tpu.memref_slice %arg2[%dma_start3A_182, %add3A_181] : memref<4x262144xi32, #tpu.memory_space<hbm>> -> memref<1x4096xi32, #tpu.memory_space<hbm>>
      %dma_start3A_190 = tpu.memref_squeeze %dma_start3A_189 : memref<1x4096xi32, #tpu.memory_space<hbm>> -> memref<4096xi32, #tpu.memory_space<hbm>>
      tpu.enqueue_dma source(%dma_start3A_190 : memref<4096xi32, #tpu.memory_space<hbm>>) target(%dma_start3A_188 : memref<4096xi32, #tpu.memory_space<vmem>>) target_semaphore(%arg11 : memref<!tpu.dma_semaphore, #tpu.memory_space<semaphore_mem>>)
      %add3A_191 = arith.constant 8192 : i32
      %add3A_192 = arith.addi %mul3A_3, %add3A_191 : i32
      %dma_start3A_193 = arith.constant 3 : i32
      %dma_start3A_194 = arith.constant 12288 : i32
      %dma_start3A_195 = tpu.memref_slice %arg7[%dma_start3A_194] : memref<32768xi32, #tpu.memory_space<vmem>> -> memref<4096xi32, #tpu.memory_space<vmem>>
      %dma_start3A_196 = tpu.memref_slice %arg2[%dma_start3A_193, %add3A_192] : memref<4x262144xi32, #tpu.memory_space<hbm>> -> memref<1x4096xi32, #tpu.memory_space<hbm>>
      %dma_start3A_197 = tpu.memref_squeeze %dma_start3A_196 : memref<1x4096xi32, #tpu.memory_space<hbm>> -> memref<4096xi32, #tpu.memory_space<hbm>>
      %dma_start3A_198 = arith.constant 12288 : i32
      %dma_start3A_199 = tpu.memref_slice %arg7[%dma_start3A_198] : memref<32768xi32, #tpu.memory_space<vmem>> -> memref<4096xi32, #tpu.memory_space<vmem>>
      %dma_start3A_200 = tpu.memref_slice %arg2[%dma_start3A_193, %add3A_192] : memref<4x262144xi32, #tpu.memory_space<hbm>> -> memref<1x4096xi32, #tpu.memory_space<hbm>>
      %dma_start3A_201 = tpu.memref_squeeze %dma_start3A_200 : memref<1x4096xi32, #tpu.memory_space<hbm>> -> memref<4096xi32, #tpu.memory_space<hbm>>
      tpu.enqueue_dma source(%dma_start3A_201 : memref<4096xi32, #tpu.memory_space<hbm>>) target(%dma_start3A_199 : memref<4096xi32, #tpu.memory_space<vmem>>) target_semaphore(%arg11 : memref<!tpu.dma_semaphore, #tpu.memory_space<semaphore_mem>>)
      %dma_wait3A_202 = arith.constant 0 : i32
      %dma_wait3A_203 = arith.constant 0 : i32
      %dma_wait3A_204 = tpu.memref_slice %arg7[%dma_wait3A_203] : memref<32768xi32, #tpu.memory_space<vmem>> -> memref<4096xi32, #tpu.memory_space<vmem>>
      %dma_wait3A_205 = arith.constant 0 : i32
      %dma_wait3A_206 = tpu.memref_slice %arg2[%dma_wait3A_202, %dma_wait3A_205] : memref<4x262144xi32, #tpu.memory_space<hbm>> -> memref<1x4096xi32, #tpu.memory_space<hbm>>
      %dma_wait3A_207 = tpu.memref_squeeze %dma_wait3A_206 : memref<1x4096xi32, #tpu.memory_space<hbm>> -> memref<4096xi32, #tpu.memory_space<hbm>>
      %dma_wait3A_208 = arith.constant 0 : i32
      %dma_wait3A_209 = tpu.memref_slice %arg7[%dma_wait3A_208] : memref<32768xi32, #tpu.memory_space<vmem>> -> memref<4096xi32, #tpu.memory_space<vmem>>
      %dma_wait3A_210 = arith.constant 0 : i32
      %dma_wait3A_211 = tpu.memref_slice %arg2[%dma_wait3A_202, %dma_wait3A_210] : memref<4x262144xi32, #tpu.memory_space<hbm>> -> memref<1x4096xi32, #tpu.memory_space<hbm>>
      %dma_wait3A_212 = tpu.memref_squeeze %dma_wait3A_211 : memref<1x4096xi32, #tpu.memory_space<hbm>> -> memref<4096xi32, #tpu.memory_space<hbm>>
      tpu.wait_dma2 semaphore(%arg11 : memref<!tpu.dma_semaphore, #tpu.memory_space<semaphore_mem>>) src(%dma_wait3A_212 : memref<4096xi32, #tpu.memory_space<hbm>>) dst(%dma_wait3A_209 : memref<4096xi32, #tpu.memory_space<vmem>>)
      %dma_wait3A_213 = arith.constant 0 : i32
      %dma_wait3A_214 = arith.constant 0 : i32
      %dma_wait3A_215 = tpu.memref_slice %arg7[%dma_wait3A_214] : memref<32768xi32, #tpu.memory_space<vmem>> -> memref<4096xi32, #tpu.memory_space<vmem>>
      %dma_wait3A_216 = arith.constant 0 : i32
      %dma_wait3A_217 = tpu.memref_slice %arg2[%dma_wait3A_213, %dma_wait3A_216] : memref<4x262144xi32, #tpu.memory_space<hbm>> -> memref<1x4096xi32, #tpu.memory_space<hbm>>
      %dma_wait3A_218 = tpu.memref_squeeze %dma_wait3A_217 : memref<1x4096xi32, #tpu.memory_space<hbm>> -> memref<4096xi32, #tpu.memory_space<hbm>>
      %dma_wait3A_219 = arith.constant 0 : i32
      %dma_wait3A_220 = tpu.memref_slice %arg7[%dma_wait3A_219] : memref<32768xi32, #tpu.memory_space<vmem>> -> memref<4096xi32, #tpu.memory_space<vmem>>
      %dma_wait3A_221 = arith.constant 0 : i32
      %dma_wait3A_222 = tpu.memref_slice %arg2[%dma_wait3A_213, %dma_wait3A_221] : memref<4x262144xi32, #tpu.memory_space<hbm>> -> memref<1x4096xi32, #tpu.memory_space<hbm>>
      %dma_wait3A_223 = tpu.memref_squeeze %dma_wait3A_222 : memref<1x4096xi32, #tpu.memory_space<hbm>> -> memref<4096xi32, #tpu.memory_space<hbm>>
      tpu.wait_dma2 semaphore(%arg11 : memref<!tpu.dma_semaphore, #tpu.memory_space<semaphore_mem>>) src(%dma_wait3A_223 : memref<4096xi32, #tpu.memory_space<hbm>>) dst(%dma_wait3A_220 : memref<4096xi32, #tpu.memory_space<vmem>>)
      %dma_wait3A_224 = arith.constant 0 : i32
      %dma_wait3A_225 = arith.constant 0 : i32
      %dma_wait3A_226 = tpu.memref_slice %arg7[%dma_wait3A_225] : memref<32768xi32, #tpu.memory_space<vmem>> -> memref<4096xi32, #tpu.memory_space<vmem>>
      %dma_wait3A_227 = arith.constant 0 : i32
      %dma_wait3A_228 = tpu.memref_slice %arg2[%dma_wait3A_224, %dma_wait3A_227] : memref<4x262144xi32, #tpu.memory_space<hbm>> -> memref<1x4096xi32, #tpu.memory_space<hbm>>
      %dma_wait3A_229 = tpu.memref_squeeze %dma_wait3A_228 : memref<1x4096xi32, #tpu.memory_space<hbm>> -> memref<4096xi32, #tpu.memory_space<hbm>>
      %dma_wait3A_230 = arith.constant 0 : i32
      %dma_wait3A_231 = tpu.memref_slice %arg7[%dma_wait3A_230] : memref<32768xi32, #tpu.memory_space<vmem>> -> memref<4096xi32, #tpu.memory_space<vmem>>
      %dma_wait3A_232 = arith.constant 0 : i32
      %dma_wait3A_233 = tpu.memref_slice %arg2[%dma_wait3A_224, %dma_wait3A_232] : memref<4x262144xi32, #tpu.memory_space<hbm>> -> memref<1x4096xi32, #tpu.memory_space<hbm>>
      %dma_wait3A_234 = tpu.memref_squeeze %dma_wait3A_233 : memref<1x4096xi32, #tpu.memory_space<hbm>> -> memref<4096xi32, #tpu.memory_space<hbm>>
      tpu.wait_dma2 semaphore(%arg11 : memref<!tpu.dma_semaphore, #tpu.memory_space<semaphore_mem>>) src(%dma_wait3A_234 : memref<4096xi32, #tpu.memory_space<hbm>>) dst(%dma_wait3A_231 : memref<4096xi32, #tpu.memory_space<vmem>>)
      %dma_wait3A_235 = arith.constant 0 : i32
      %dma_wait3A_236 = arith.constant 0 : i32
      %dma_wait3A_237 = tpu.memref_slice %arg7[%dma_wait3A_236] : memref<32768xi32, #tpu.memory_space<vmem>> -> memref<4096xi32, #tpu.memory_space<vmem>>
      %dma_wait3A_238 = arith.constant 0 : i32
      %dma_wait3A_239 = tpu.memref_slice %arg2[%dma_wait3A_235, %dma_wait3A_238] : memref<4x262144xi32, #tpu.memory_space<hbm>> -> memref<1x4096xi32, #tpu.memory_space<hbm>>
      %dma_wait3A_240 = tpu.memref_squeeze %dma_wait3A_239 : memref<1x4096xi32, #tpu.memory_space<hbm>> -> memref<4096xi32, #tpu.memory_space<hbm>>
      %dma_wait3A_241 = arith.constant 0 : i32
      %dma_wait3A_242 = tpu.memref_slice %arg7[%dma_wait3A_241] : memref<32768xi32, #tpu.memory_space<vmem>> -> memref<4096xi32, #tpu.memory_space<vmem>>
      %dma_wait3A_243 = arith.constant 0 : i32
      %dma_wait3A_244 = tpu.memref_slice %arg2[%dma_wait3A_235, %dma_wait3A_243] : memref<4x262144xi32, #tpu.memory_space<hbm>> -> memref<1x4096xi32, #tpu.memory_space<hbm>>
      %dma_wait3A_245 = tpu.memref_squeeze %dma_wait3A_244 : memref<1x4096xi32, #tpu.memory_space<hbm>> -> memref<4096xi32, #tpu.memory_space<hbm>>
      tpu.wait_dma2 semaphore(%arg11 : memref<!tpu.dma_semaphore, #tpu.memory_space<semaphore_mem>>) src(%dma_wait3A_245 : memref<4096xi32, #tpu.memory_space<hbm>>) dst(%dma_wait3A_242 : memref<4096xi32, #tpu.memory_space<vmem>>)
      %scan3A_246 = arith.constant 0 : i32
      %scan3A_247 = arith.constant 0 : i32
      %scan3A_248 = arith.constant 128 : i32
      %scan3A_249 = arith.addi %scan3A_247, %scan3A_248 : i32
      %scan3A_250 = arith.constant 1 : i32
      %scan3A_251 = scf.for %scan3A_401 = %scan3A_247 to %scan3A_249 step %scan3A_250 iter_args(%scan3A_402 = %scan3A_246) -> (i32)  : i32 {
        %mul3A_403 = arith.constant 2 : i32
        %mul3A_404 = arith.muli %scan3A_401, %mul3A_403 : i32
        %add3A_405 = arith.constant 0 : i32
        %add3A_406 = arith.addi %mul3A_404, %add3A_405 : i32
        %mul3A_407 = arith.constant 16 : i32
        %mul3A_408 = arith.muli %add3A_406, %mul3A_407 : i32
        %add3A_409 = arith.constant 16384 : i32
        %add3A_410 = arith.addi %add3A_409, %mul3A_408 : i32
        %get3A = arith.index_cast %add3A_410 : i32 to index
        %get3A_411 = tpu.vector_load %arg7[%get3A] {strides = array<i32>} : memref<32768xi32, #tpu.memory_space<vmem>>, vector<16xi32>,
        %mul3A_412 = arith.constant 16 : i32
        %mul3A_413 = arith.muli %add3A_406, %mul3A_412 : i32
        %add3A_414 = arith.constant 20480 : i32
        %add3A_415 = arith.addi %add3A_414, %mul3A_413 : i32
        %get3A_416 = arith.index_cast %add3A_415 : i32 to index
        %get3A_417 = tpu.vector_load %arg7[%get3A_416] {strides = array<i32>} : memref<32768xi32, #tpu.memory_space<vmem>>, vector<16xi32>,
        %mul3A_418 = arith.constant 16 : i32
        %mul3A_419 = arith.muli %add3A_406, %mul3A_418 : i32
        %add3A_420 = arith.constant 24576 : i32
        %add3A_421 = arith.addi %add3A_420, %mul3A_419 : i32
        %get3A_422 = arith.index_cast %add3A_421 : i32 to index
        %get3A_423 = tpu.vector_load %arg7[%get3A_422] {strides = array<i32>} : memref<32768xi32, #tpu.memory_space<vmem>>, vector<16xi32>,
        %mul3A_424 = arith.constant 16 : i32
        %mul3A_425 = arith.muli %add3A_406, %mul3A_424 : i32
        %add3A_426 = arith.constant 28672 : i32
        %add3A_427 = arith.addi %add3A_426, %mul3A_425 : i32
        %get3A_428 = arith.index_cast %add3A_427 : i32 to index
        %get3A_429 = tpu.vector_load %arg7[%get3A_428] {strides = array<i32>} : memref<32768xi32, #tpu.memory_space<vmem>>, vector<16xi32>,
        %mul3A_430 = arith.constant 2731 : i32
        %mul3A_431 = vector.broadcast %mul3A_430 : i32 to vector<16xi32>
        %mul3A_432 = arith.muli %get3A_423, %mul3A_431 : vector<16xi32>
        %shift_right_arithmetic3A = arith.constant 15 : i32
        %shift_right_arithmetic3A_433 = vector.broadcast %shift_right_arithmetic3A : i32 to vector<16xi32>
        %shift_right_arithmetic3A_434 = arith.shrsi %mul3A_432, %shift_right_arithmetic3A_433 : vector<16xi32>
        %mul3A_435 = arith.constant 12 : i32
        %mul3A_436 = vector.broadcast %mul3A_435 : i32 to vector<16xi32>
        %mul3A_437 = arith.muli %shift_right_arithmetic3A_434, %mul3A_436 : vector<16xi32>
        %sub3A_438 = arith.subi %get3A_423, %mul3A_437 : vector<16xi32>
        %mul3A_439 = arith.constant 2731 : i32
        %mul3A_440 = vector.broadcast %mul3A_439 : i32 to vector<16xi32>
        %mul3A_441 = arith.muli %get3A_429, %mul3A_440 : vector<16xi32>
        %shift_right_arithmetic3A_442 = arith.constant 15 : i32
        %shift_right_arithmetic3A_443 = vector.broadcast %shift_right_arithmetic3A_442 : i32 to vector<16xi32>
        %shift_right_arithmetic3A_444 = arith.shrsi %mul3A_441, %shift_right_arithmetic3A_443 : vector<16xi32>
        %mul3A_445 = arith.constant 12 : i32
        %mul3A_446 = vector.broadcast %mul3A_445 : i32 to vector<16xi32>
        %mul3A_447 = arith.muli %shift_right_arithmetic3A_444, %mul3A_446 : vector<16xi32>
        %sub3A_448 = arith.subi %get3A_429, %mul3A_447 : vector<16xi32>
        %mul3A_449 = arith.constant 41472 : i32
        %mul3A_450 = vector.broadcast %mul3A_449 : i32 to vector<16xi32>
        %mul3A_451 = arith.muli %get3A_411, %mul3A_450 : vector<16xi32>
        %mul3A_452 = arith.constant 13824 : i32
        %mul3A_453 = vector.broadcast %mul3A_452 : i32 to vector<16xi32>
        %mul3A_454 = arith.muli %shift_right_arithmetic3A_434, %mul3A_453 : vector<16xi32>
        %add3A_455 = arith.addi %mul3A_451, %mul3A_454 : vector<16xi32>
        %mul3A_456 = arith.constant 4608 : i32
        %mul3A_457 = vector.broadcast %mul3A_456 : i32 to vector<16xi32>
        %mul3A_458 = arith.muli %shift_right_arithmetic3A_444, %mul3A_457 : vector<16xi32>
        %add3A_459 = arith.addi %add3A_455, %mul3A_458 : vector<16xi32>
        %mul3A_460 = arith.constant 384 : i32
        %mul3A_461 = vector.broadcast %mul3A_460 : i32 to vector<16xi32>
        %mul3A_462 = arith.muli %sub3A_438, %mul3A_461 : vector<16xi32>
        %add3A_463 = arith.addi %add3A_459, %mul3A_462 : vector<16xi32>
        %mul3A_464 = arith.constant 32 : i32
        %mul3A_465 = vector.broadcast %mul3A_464 : i32 to vector<16xi32>
        %mul3A_466 = arith.muli %sub3A_448, %mul3A_465 : vector<16xi32>
        %add3A_467 = arith.addi %add3A_463, %mul3A_466 : vector<16xi32>
        %add3A_468 = arith.addi %add3A_467, %get3A_417 : vector<16xi32>
        %mul3A_469 = arith.constant 16 : i32
        %mul3A_470 = arith.muli %add3A_406, %mul3A_469 : i32
        %add3A_471 = arith.constant 4096 : i32
        %add3A_472 = arith.addi %add3A_471, %mul3A_470 : i32
        %swap3A = arith.index_cast %add3A_472 : i32 to index
        %swap3A_473 = tpu.vector_load %arg4[%swap3A] {strides = array<i32>} : memref<16384xi32, #tpu.memory_space<vmem>>, vector<16xi32>,
        tpu.vector_store %arg4[%swap3A], %add3A_468 {strides = array<i32>} : memref<16384xi32, #tpu.memory_space<vmem>>, vector<16xi32>,
        %and3A = arith.constant 2047 : i32
        %and3A_474 = vector.broadcast %and3A : i32 to vector<16xi32>
        %and3A_475 = arith.andi %add3A_468, %and3A_474 : vector<16xi32>
        %add3A_476 = arith.constant 256 : i32
        %add3A_477 = arith.addi %add3A_476, %add3A_406 : i32
        %broadcast_in_dim3A_478 = arith.constant true
        %broadcast_in_dim3A_479 = vector.broadcast %broadcast_in_dim3A_478 : i1 to vector<16xi1>
        %unique3A_480, %unique3A_481 = tpu.scan_count mask(%broadcast_in_dim3A_479 : vector<16xi1>) value(%and3A_475 : vector<16xi32>) : vector<16xi1>, vector<16xi32>
        %gather3A = tpu.vector_load_idx %arg8[%and3A_475] : memref<2048xi32, #tpu.memory_space<vmem>>[vector<16xi32>], vector<16xi32>,
        %sub3A_482 = vector.broadcast %reduce_min3A_14 : i32 to vector<16xi32>
        %sub3A_483 = arith.subi %unique3A_481, %sub3A_482 : vector<16xi32>
        %add3A_484 = arith.addi %gather3A, %sub3A_483 : vector<16xi32>
        %mul3A_485 = arith.constant 16 : i32
        %mul3A_486 = arith.muli %add3A_477, %mul3A_485 : i32
        %swap3A_487 = arith.index_cast %mul3A_486 : i32 to index
        %swap3A_488 = tpu.vector_load %arg6[%swap3A_487] {strides = array<i32>} : memref<16384xi32, #tpu.memory_space<vmem>>, vector<16xi32>,
        tpu.vector_store %arg6[%swap3A_487], %add3A_484 {strides = array<i32>} : memref<16384xi32, #tpu.memory_space<vmem>>, vector<16xi32>,
        %add3A_489 = vector.broadcast %sub3A_15 : i32 to vector<16xi32>
        %add3A_490 = arith.addi %unique3A_481, %add3A_489 : vector<16xi32>
        tpu.vector_store_idx %arg8[%and3A_475], %add3A_490 masked %unique3A_480 {add = true} : memref<2048xi32, #tpu.memory_space<vmem>>[vector<16xi32>], vector<16xi32>, vector<16xi1>
        %mul3A_491 = arith.constant 2 : i32
        %mul3A_492 = arith.muli %scan3A_401, %mul3A_491 : i32
        %add3A_493 = arith.constant 1 : i32
        %add3A_494 = arith.addi %mul3A_492, %add3A_493 : i32
        %mul3A_495 = arith.constant 16 : i32
        %mul3A_496 = arith.muli %add3A_494, %mul3A_495 : i32
        %add3A_497 = arith.constant 16384 : i32
        %add3A_498 = arith.addi %add3A_497, %mul3A_496 : i32
        %get3A_499 = arith.index_cast %add3A_498 : i32 to index
        %get3A_500 = tpu.vector_load %arg7[%get3A_499] {strides = array<i32>} : memref<32768xi32, #tpu.memory_space<vmem>>, vector<16xi32>,
        %mul3A_501 = arith.constant 16 : i32
        %mul3A_502 = arith.muli %add3A_494, %mul3A_501 : i32
        %add3A_503 = arith.constant 20480 : i32
        %add3A_504 = arith.addi %add3A_503, %mul3A_502 : i32
        %get3A_505 = arith.index_cast %add3A_504 : i32 to index
        %get3A_506 = tpu.vector_load %arg7[%get3A_505] {strides = array<i32>} : memref<32768xi32, #tpu.memory_space<vmem>>, vector<16xi32>,
        %mul3A_507 = arith.constant 16 : i32
        %mul3A_508 = arith.muli %add3A_494, %mul3A_507 : i32
        %add3A_509 = arith.constant 24576 : i32
        %add3A_510 = arith.addi %add3A_509, %mul3A_508 : i32
        %get3A_511 = arith.index_cast %add3A_510 : i32 to index
        %get3A_512 = tpu.vector_load %arg7[%get3A_511] {strides = array<i32>} : memref<32768xi32, #tpu.memory_space<vmem>>, vector<16xi32>,
        %mul3A_513 = arith.constant 16 : i32
        %mul3A_514 = arith.muli %add3A_494, %mul3A_513 : i32
        %add3A_515 = arith.constant 28672 : i32
        %add3A_516 = arith.addi %add3A_515, %mul3A_514 : i32
        %get3A_517 = arith.index_cast %add3A_516 : i32 to index
        %get3A_518 = tpu.vector_load %arg7[%get3A_517] {strides = array<i32>} : memref<32768xi32, #tpu.memory_space<vmem>>, vector<16xi32>,
        %mul3A_519 = arith.constant 2731 : i32
        %mul3A_520 = vector.broadcast %mul3A_519 : i32 to vector<16xi32>
        %mul3A_521 = arith.muli %get3A_512, %mul3A_520 : vector<16xi32>
        %shift_right_arithmetic3A_522 = arith.constant 15 : i32
        %shift_right_arithmetic3A_523 = vector.broadcast %shift_right_arithmetic3A_522 : i32 to vector<16xi32>
        %shift_right_arithmetic3A_524 = arith.shrsi %mul3A_521, %shift_right_arithmetic3A_523 : vector<16xi32>
        %mul3A_525 = arith.constant 12 : i32
        %mul3A_526 = vector.broadcast %mul3A_525 : i32 to vector<16xi32>
        %mul3A_527 = arith.muli %shift_right_arithmetic3A_524, %mul3A_526 : vector<16xi32>
        %sub3A_528 = arith.subi %get3A_512, %mul3A_527 : vector<16xi32>
        %mul3A_529 = arith.constant 2731 : i32
        %mul3A_530 = vector.broadcast %mul3A_529 : i32 to vector<16xi32>
        %mul3A_531 = arith.muli %get3A_518, %mul3A_530 : vector<16xi32>
        %shift_right_arithmetic3A_532 = arith.constant 15 : i32
        %shift_right_arithmetic3A_533 = vector.broadcast %shift_right_arithmetic3A_532 : i32 to vector<16xi32>
        %shift_right_arithmetic3A_534 = arith.shrsi %mul3A_531, %shift_right_arithmetic3A_533 : vector<16xi32>
        %mul3A_535 = arith.constant 12 : i32
        %mul3A_536 = vector.broadcast %mul3A_535 : i32 to vector<16xi32>
        %mul3A_537 = arith.muli %shift_right_arithmetic3A_534, %mul3A_536 : vector<16xi32>
        %sub3A_538 = arith.subi %get3A_518, %mul3A_537 : vector<16xi32>
        %mul3A_539 = arith.constant 41472 : i32
        %mul3A_540 = vector.broadcast %mul3A_539 : i32 to vector<16xi32>
        %mul3A_541 = arith.muli %get3A_500, %mul3A_540 : vector<16xi32>
        %mul3A_542 = arith.constant 13824 : i32
        %mul3A_543 = vector.broadcast %mul3A_542 : i32 to vector<16xi32>
        %mul3A_544 = arith.muli %shift_right_arithmetic3A_524, %mul3A_543 : vector<16xi32>
        %add3A_545 = arith.addi %mul3A_541, %mul3A_544 : vector<16xi32>
        %mul3A_546 = arith.constant 4608 : i32
        %mul3A_547 = vector.broadcast %mul3A_546 : i32 to vector<16xi32>
        %mul3A_548 = arith.muli %shift_right_arithmetic3A_534, %mul3A_547 : vector<16xi32>
        %add3A_549 = arith.addi %add3A_545, %mul3A_548 : vector<16xi32>
        %mul3A_550 = arith.constant 384 : i32
        %mul3A_551 = vector.broadcast %mul3A_550 : i32 to vector<16xi32>
        %mul3A_552 = arith.muli %sub3A_528, %mul3A_551 : vector<16xi32>
        %add3A_553 = arith.addi %add3A_549, %mul3A_552 : vector<16xi32>
        %mul3A_554 = arith.constant 32 : i32
        %mul3A_555 = vector.broadcast %mul3A_554 : i32 to vector<16xi32>
        %mul3A_556 = arith.muli %sub3A_538, %mul3A_555 : vector<16xi32>
        %add3A_557 = arith.addi %add3A_553, %mul3A_556 : vector<16xi32>
        %add3A_558 = arith.addi %add3A_557, %get3A_506 : vector<16xi32>
        %mul3A_559 = arith.constant 16 : i32
        %mul3A_560 = arith.muli %add3A_494, %mul3A_559 : i32
        %add3A_561 = arith.constant 4096 : i32
        %add3A_562 = arith.addi %add3A_561, %mul3A_560 : i32
        %swap3A_563 = arith.index_cast %add3A_562 : i32 to index
        %swap3A_564 = tpu.vector_load %arg4[%swap3A_563] {strides = array<i32>} : memref<16384xi32, #tpu.memory_space<vmem>>, vector<16xi32>,
        tpu.vector_store %arg4[%swap3A_563], %add3A_558 {strides = array<i32>} : memref<16384xi32, #tpu.memory_space<vmem>>, vector<16xi32>,
        %and3A_565 = arith.constant 2047 : i32
        %and3A_566 = vector.broadcast %and3A_565 : i32 to vector<16xi32>
        %and3A_567 = arith.andi %add3A_558, %and3A_566 : vector<16xi32>
        %add3A_568 = arith.constant 256 : i32
        %add3A_569 = arith.addi %add3A_568, %add3A_494 : i32
        %broadcast_in_dim3A_570 = arith.constant true
        %broadcast_in_dim3A_571 = vector.broadcast %broadcast_in_dim3A_570 : i1 to vector<16xi1>
        %unique3A_572, %unique3A_573 = tpu.scan_count mask(%broadcast_in_dim3A_571 : vector<16xi1>) value(%and3A_567 : vector<16xi32>) : vector<16xi1>, vector<16xi32>
        %gather3A_574 = tpu.vector_load_idx %arg8[%and3A_567] : memref<2048xi32, #tpu.memory_space<vmem>>[vector<16xi32>], vector<16xi32>,
        %sub3A_575 = vector.broadcast %reduce_min3A_14 : i32 to vector<16xi32>
        %sub3A_576 = arith.subi %unique3A_573, %sub3A_575 : vector<16xi32>
        %add3A_577 = arith.addi %gather3A_574, %sub3A_576 : vector<16xi32>
        %mul3A_578 = arith.constant 16 : i32
        %mul3A_579 = arith.muli %add3A_569, %mul3A_578 : i32
        %swap3A_580 = arith.index_cast %mul3A_579 : i32 to index
        %swap3A_581 = tpu.vector_load %arg6[%swap3A_580] {strides = array<i32>} : memref<16384xi32, #tpu.memory_space<vmem>>, vector<16xi32>,
        tpu.vector_store %arg6[%swap3A_580], %add3A_577 {strides = array<i32>} : memref<16384xi32, #tpu.memory_space<vmem>>, vector<16xi32>,
        %add3A_582 = vector.broadcast %sub3A_15 : i32 to vector<16xi32>
        %add3A_583 = arith.addi %unique3A_573, %add3A_582 : vector<16xi32>
        tpu.vector_store_idx %arg8[%and3A_567], %add3A_583 masked %unique3A_572 {add = true} : memref<2048xi32, #tpu.memory_space<vmem>>[vector<16xi32>], vector<16xi32>, vector<16xi1>
        %scan3A_584 = arith.constant 0 : i32
        scf.yield %scan3A_584 : i32
      }
      %scan3A_252 = arith.constant 128 : i32
      %add3A_253 = arith.constant 12288 : i32
      %add3A_254 = arith.addi %mul3A_3, %add3A_253 : i32
      %dma_start3A_255 = arith.constant 0 : i32
      %dma_start3A_256 = arith.constant 16384 : i32
      %dma_start3A_257 = tpu.memref_slice %arg7[%dma_start3A_256] : memref<32768xi32, #tpu.memory_space<vmem>> -> memref<4096xi32, #tpu.memory_space<vmem>>
      %dma_start3A_258 = tpu.memref_slice %arg2[%dma_start3A_255, %add3A_254] : memref<4x262144xi32, #tpu.memory_space<hbm>> -> memref<1x4096xi32, #tpu.memory_space<hbm>>
      %dma_start3A_259 = tpu.memref_squeeze %dma_start3A_258 : memref<1x4096xi32, #tpu.memory_space<hbm>> -> memref<4096xi32, #tpu.memory_space<hbm>>
      %dma_start3A_260 = arith.constant 16384 : i32
      %dma_start3A_261 = tpu.memref_slice %arg7[%dma_start3A_260] : memref<32768xi32, #tpu.memory_space<vmem>> -> memref<4096xi32, #tpu.memory_space<vmem>>
      %dma_start3A_262 = tpu.memref_slice %arg2[%dma_start3A_255, %add3A_254] : memref<4x262144xi32, #tpu.memory_space<hbm>> -> memref<1x4096xi32, #tpu.memory_space<hbm>>
      %dma_start3A_263 = tpu.memref_squeeze %dma_start3A_262 : memref<1x4096xi32, #tpu.memory_space<hbm>> -> memref<4096xi32, #tpu.memory_space<hbm>>
      tpu.enqueue_dma source(%dma_start3A_263 : memref<4096xi32, #tpu.memory_space<hbm>>) target(%dma_start3A_261 : memref<4096xi32, #tpu.memory_space<vmem>>) target_semaphore(%arg11 : memref<!tpu.dma_semaphore, #tpu.memory_space<semaphore_mem>>)
      %add3A_264 = arith.constant 12288 : i32
      %add3A_265 = arith.addi %mul3A_3, %add3A_264 : i32
      %dma_start3A_266 = arith.constant 1 : i32
      %dma_start3A_267 = arith.constant 20480 : i32
      %dma_start3A_268 = tpu.memref_slice %arg7[%dma_start3A_267] : memref<32768xi32, #tpu.memory_space<vmem>> -> memref<4096xi32, #tpu.memory_space<vmem>>
      %dma_start3A_269 = tpu.memref_slice %arg2[%dma_start3A_266, %add3A_265] : memref<4x262144xi32, #tpu.memory_space<hbm>> -> memref<1x4096xi32, #tpu.memory_space<hbm>>
      %dma_start3A_270 = tpu.memref_squeeze %dma_start3A_269 : memref<1x4096xi32, #tpu.memory_space<hbm>> -> memref<4096xi32, #tpu.memory_space<hbm>>
      %dma_start3A_271 = arith.constant 20480 : i32
      %dma_start3A_272 = tpu.memref_slice %arg7[%dma_start3A_271] : memref<32768xi32, #tpu.memory_space<vmem>> -> memref<4096xi32, #tpu.memory_space<vmem>>
      %dma_start3A_273 = tpu.memref_slice %arg2[%dma_start3A_266, %add3A_265] : memref<4x262144xi32, #tpu.memory_space<hbm>> -> memref<1x4096xi32, #tpu.memory_space<hbm>>
      %dma_start3A_274 = tpu.memref_squeeze %dma_start3A_273 : memref<1x4096xi32, #tpu.memory_space<hbm>> -> memref<4096xi32, #tpu.memory_space<hbm>>
      tpu.enqueue_dma source(%dma_start3A_274 : memref<4096xi32, #tpu.memory_space<hbm>>) target(%dma_start3A_272 : memref<4096xi32, #tpu.memory_space<vmem>>) target_semaphore(%arg11 : memref<!tpu.dma_semaphore, #tpu.memory_space<semaphore_mem>>)
      %add3A_275 = arith.constant 12288 : i32
      %add3A_276 = arith.addi %mul3A_3, %add3A_275 : i32
      %dma_start3A_277 = arith.constant 2 : i32
      %dma_start3A_278 = arith.constant 24576 : i32
      %dma_start3A_279 = tpu.memref_slice %arg7[%dma_start3A_278] : memref<32768xi32, #tpu.memory_space<vmem>> -> memref<4096xi32, #tpu.memory_space<vmem>>
      %dma_start3A_280 = tpu.memref_slice %arg2[%dma_start3A_277, %add3A_276] : memref<4x262144xi32, #tpu.memory_space<hbm>> -> memref<1x4096xi32, #tpu.memory_space<hbm>>
      %dma_start3A_281 = tpu.memref_squeeze %dma_start3A_280 : memref<1x4096xi32, #tpu.memory_space<hbm>> -> memref<4096xi32, #tpu.memory_space<hbm>>
      %dma_start3A_282 = arith.constant 24576 : i32
      %dma_start3A_283 = tpu.memref_slice %arg7[%dma_start3A_282] : memref<32768xi32, #tpu.memory_space<vmem>> -> memref<4096xi32, #tpu.memory_space<vmem>>
      %dma_start3A_284 = tpu.memref_slice %arg2[%dma_start3A_277, %add3A_276] : memref<4x262144xi32, #tpu.memory_space<hbm>> -> memref<1x4096xi32, #tpu.memory_space<hbm>>
      %dma_start3A_285 = tpu.memref_squeeze %dma_start3A_284 : memref<1x4096xi32, #tpu.memory_space<hbm>> -> memref<4096xi32, #tpu.memory_space<hbm>>
      tpu.enqueue_dma source(%dma_start3A_285 : memref<4096xi32, #tpu.memory_space<hbm>>) target(%dma_start3A_283 : memref<4096xi32, #tpu.memory_space<vmem>>) target_semaphore(%arg11 : memref<!tpu.dma_semaphore, #tpu.memory_space<semaphore_mem>>)
      %add3A_286 = arith.constant 12288 : i32
      %add3A_287 = arith.addi %mul3A_3, %add3A_286 : i32
      %dma_start3A_288 = arith.constant 3 : i32
      %dma_start3A_289 = arith.constant 28672 : i32
      %dma_start3A_290 = tpu.memref_slice %arg7[%dma_start3A_289] : memref<32768xi32, #tpu.memory_space<vmem>> -> memref<4096xi32, #tpu.memory_space<vmem>>
      %dma_start3A_291 = tpu.memref_slice %arg2[%dma_start3A_288, %add3A_287] : memref<4x262144xi32, #tpu.memory_space<hbm>> -> memref<1x4096xi32, #tpu.memory_space<hbm>>
      %dma_start3A_292 = tpu.memref_squeeze %dma_start3A_291 : memref<1x4096xi32, #tpu.memory_space<hbm>> -> memref<4096xi32, #tpu.memory_space<hbm>>
      %dma_start3A_293 = arith.constant 28672 : i32
      %dma_start3A_294 = tpu.memref_slice %arg7[%dma_start3A_293] : memref<32768xi32, #tpu.memory_space<vmem>> -> memref<4096xi32, #tpu.memory_space<vmem>>
      %dma_start3A_295 = tpu.memref_slice %arg2[%dma_start3A_288, %add3A_287] : memref<4x262144xi32, #tpu.memory_space<hbm>> -> memref<1x4096xi32, #tpu.memory_space<hbm>>
      %dma_start3A_296 = tpu.memref_squeeze %dma_start3A_295 : memref<1x4096xi32, #tpu.memory_space<hbm>> -> memref<4096xi32, #tpu.memory_space<hbm>>
      tpu.enqueue_dma source(%dma_start3A_296 : memref<4096xi32, #tpu.memory_space<hbm>>) target(%dma_start3A_294 : memref<4096xi32, #tpu.memory_space<vmem>>) target_semaphore(%arg11 : memref<!tpu.dma_semaphore, #tpu.memory_space<semaphore_mem>>)
      %dma_wait3A_297 = arith.constant 0 : i32
      %dma_wait3A_298 = arith.constant 0 : i32
      %dma_wait3A_299 = tpu.memref_slice %arg7[%dma_wait3A_298] : memref<32768xi32, #tpu.memory_space<vmem>> -> memref<4096xi32, #tpu.memory_space<vmem>>
      %dma_wait3A_300 = arith.constant 0 : i32
      %dma_wait3A_301 = tpu.memref_slice %arg2[%dma_wait3A_297, %dma_wait3A_300] : memref<4x262144xi32, #tpu.memory_space<hbm>> -> memref<1x4096xi32, #tpu.memory_space<hbm>>
      %dma_wait3A_302 = tpu.memref_squeeze %dma_wait3A_301 : memref<1x4096xi32, #tpu.memory_space<hbm>> -> memref<4096xi32, #tpu.memory_space<hbm>>
      %dma_wait3A_303 = arith.constant 0 : i32
      %dma_wait3A_304 = tpu.memref_slice %arg7[%dma_wait3A_303] : memref<32768xi32, #tpu.memory_space<vmem>> -> memref<4096xi32, #tpu.memory_space<vmem>>
      %dma_wait3A_305 = arith.constant 0 : i32
      %dma_wait3A_306 = tpu.memref_slice %arg2[%dma_wait3A_297, %dma_wait3A_305] : memref<4x262144xi32, #tpu.memory_space<hbm>> -> memref<1x4096xi32, #tpu.memory_space<hbm>>
      %dma_wait3A_307 = tpu.memref_squeeze %dma_wait3A_306 : memref<1x4096xi32, #tpu.memory_space<hbm>> -> memref<4096xi32, #tpu.memory_space<hbm>>
      tpu.wait_dma2 semaphore(%arg11 : memref<!tpu.dma_semaphore, #tpu.memory_space<semaphore_mem>>) src(%dma_wait3A_307 : memref<4096xi32, #tpu.memory_space<hbm>>) dst(%dma_wait3A_304 : memref<4096xi32, #tpu.memory_space<vmem>>)
      %dma_wait3A_308 = arith.constant 0 : i32
      %dma_wait3A_309 = arith.constant 0 : i32
      %dma_wait3A_310 = tpu.memref_slice %arg7[%dma_wait3A_309] : memref<32768xi32, #tpu.memory_space<vmem>> -> memref<4096xi32, #tpu.memory_space<vmem>>
      %dma_wait3A_311 = arith.constant 0 : i32
      %dma_wait3A_312 = tpu.memref_slice %arg2[%dma_wait3A_308, %dma_wait3A_311] : memref<4x262144xi32, #tpu.memory_space<hbm>> -> memref<1x4096xi32, #tpu.memory_space<hbm>>
      %dma_wait3A_313 = tpu.memref_squeeze %dma_wait3A_312 : memref<1x4096xi32, #tpu.memory_space<hbm>> -> memref<4096xi32, #tpu.memory_space<hbm>>
      %dma_wait3A_314 = arith.constant 0 : i32
      %dma_wait3A_315 = tpu.memref_slice %arg7[%dma_wait3A_314] : memref<32768xi32, #tpu.memory_space<vmem>> -> memref<4096xi32, #tpu.memory_space<vmem>>
      %dma_wait3A_316 = arith.constant 0 : i32
      %dma_wait3A_317 = tpu.memref_slice %arg2[%dma_wait3A_308, %dma_wait3A_316] : memref<4x262144xi32, #tpu.memory_space<hbm>> -> memref<1x4096xi32, #tpu.memory_space<hbm>>
      %dma_wait3A_318 = tpu.memref_squeeze %dma_wait3A_317 : memref<1x4096xi32, #tpu.memory_space<hbm>> -> memref<4096xi32, #tpu.memory_space<hbm>>
      tpu.wait_dma2 semaphore(%arg11 : memref<!tpu.dma_semaphore, #tpu.memory_space<semaphore_mem>>) src(%dma_wait3A_318 : memref<4096xi32, #tpu.memory_space<hbm>>) dst(%dma_wait3A_315 : memref<4096xi32, #tpu.memory_space<vmem>>)
      %dma_wait3A_319 = arith.constant 0 : i32
      %dma_wait3A_320 = arith.constant 0 : i32
      %dma_wait3A_321 = tpu.memref_slice %arg7[%dma_wait3A_320] : memref<32768xi32, #tpu.memory_space<vmem>> -> memref<4096xi32, #tpu.memory_space<vmem>>
      %dma_wait3A_322 = arith.constant 0 : i32
      %dma_wait3A_323 = tpu.memref_slice %arg2[%dma_wait3A_319, %dma_wait3A_322] : memref<4x262144xi32, #tpu.memory_space<hbm>> -> memref<1x4096xi32, #tpu.memory_space<hbm>>
      %dma_wait3A_324 = tpu.memref_squeeze %dma_wait3A_323 : memref<1x4096xi32, #tpu.memory_space<hbm>> -> memref<4096xi32, #tpu.memory_space<hbm>>
      %dma_wait3A_325 = arith.constant 0 : i32
      %dma_wait3A_326 = tpu.memref_slice %arg7[%dma_wait3A_325] : memref<32768xi32, #tpu.memory_space<vmem>> -> memref<4096xi32, #tpu.memory_space<vmem>>
      %dma_wait3A_327 = arith.constant 0 : i32
      %dma_wait3A_328 = tpu.memref_slice %arg2[%dma_wait3A_319, %dma_wait3A_327] : memref<4x262144xi32, #tpu.memory_space<hbm>> -> memref<1x4096xi32, #tpu.memory_space<hbm>>
      %dma_wait3A_329 = tpu.memref_squeeze %dma_wait3A_328 : memref<1x4096xi32, #tpu.memory_space<hbm>> -> memref<4096xi32, #tpu.memory_space<hbm>>
      tpu.wait_dma2 semaphore(%arg11 : memref<!tpu.dma_semaphore, #tpu.memory_space<semaphore_mem>>) src(%dma_wait3A_329 : memref<4096xi32, #tpu.memory_space<hbm>>) dst(%dma_wait3A_326 : memref<4096xi32, #tpu.memory_space<vmem>>)
      %dma_wait3A_330 = arith.constant 0 : i32
      %dma_wait3A_331 = arith.constant 0 : i32
      %dma_wait3A_332 = tpu.memref_slice %arg7[%dma_wait3A_331] : memref<32768xi32, #tpu.memory_space<vmem>> -> memref<4096xi32, #tpu.memory_space<vmem>>
      %dma_wait3A_333 = arith.constant 0 : i32
      %dma_wait3A_334 = tpu.memref_slice %arg2[%dma_wait3A_330, %dma_wait3A_333] : memref<4x262144xi32, #tpu.memory_space<hbm>> -> memref<1x4096xi32, #tpu.memory_space<hbm>>
      %dma_wait3A_335 = tpu.memref_squeeze %dma_wait3A_334 : memref<1x4096xi32, #tpu.memory_space<hbm>> -> memref<4096xi32, #tpu.memory_space<hbm>>
      %dma_wait3A_336 = arith.constant 0 : i32
      %dma_wait3A_337 = tpu.memref_slice %arg7[%dma_wait3A_336] : memref<32768xi32, #tpu.memory_space<vmem>> -> memref<4096xi32, #tpu.memory_space<vmem>>
      %dma_wait3A_338 = arith.constant 0 : i32
      %dma_wait3A_339 = tpu.memref_slice %arg2[%dma_wait3A_330, %dma_wait3A_338] : memref<4x262144xi32, #tpu.memory_space<hbm>> -> memref<1x4096xi32, #tpu.memory_space<hbm>>
      %dma_wait3A_340 = tpu.memref_squeeze %dma_wait3A_339 : memref<1x4096xi32, #tpu.memory_space<hbm>> -> memref<4096xi32, #tpu.memory_space<hbm>>
      tpu.wait_dma2 semaphore(%arg11 : memref<!tpu.dma_semaphore, #tpu.memory_space<semaphore_mem>>) src(%dma_wait3A_340 : memref<4096xi32, #tpu.memory_space<hbm>>) dst(%dma_wait3A_337 : memref<4096xi32, #tpu.memory_space<vmem>>)
      %scan3A_341 = arith.constant 0 : i32
      %scan3A_342 = arith.constant 0 : i32
      %scan3A_343 = arith.constant 128 : i32
      %scan3A_344 = arith.addi %scan3A_342, %scan3A_343 : i32
      %scan3A_345 = arith.constant 1 : i32
      %scan3A_346 = scf.for %scan3A_401 = %scan3A_342 to %scan3A_344 step %scan3A_345 iter_args(%scan3A_402 = %scan3A_341) -> (i32)  : i32 {
        %mul3A_403 = arith.constant 2 : i32
        %mul3A_404 = arith.muli %scan3A_401, %mul3A_403 : i32
        %add3A_405 = arith.constant 0 : i32
        %add3A_406 = arith.addi %mul3A_404, %add3A_405 : i32
        %mul3A_407 = arith.constant 16 : i32
        %mul3A_408 = arith.muli %add3A_406, %mul3A_407 : i32
        %add3A_409 = arith.constant 0 : i32
        %add3A_410 = arith.addi %add3A_409, %mul3A_408 : i32
        %get3A = arith.index_cast %add3A_410 : i32 to index
        %get3A_411 = tpu.vector_load %arg7[%get3A] {strides = array<i32>} : memref<32768xi32, #tpu.memory_space<vmem>>, vector<16xi32>,
        %mul3A_412 = arith.constant 16 : i32
        %mul3A_413 = arith.muli %add3A_406, %mul3A_412 : i32
        %add3A_414 = arith.constant 4096 : i32
        %add3A_415 = arith.addi %add3A_414, %mul3A_413 : i32
        %get3A_416 = arith.index_cast %add3A_415 : i32 to index
        %get3A_417 = tpu.vector_load %arg7[%get3A_416] {strides = array<i32>} : memref<32768xi32, #tpu.memory_space<vmem>>, vector<16xi32>,
        %mul3A_418 = arith.constant 16 : i32
        %mul3A_419 = arith.muli %add3A_406, %mul3A_418 : i32
        %add3A_420 = arith.constant 8192 : i32
        %add3A_421 = arith.addi %add3A_420, %mul3A_419 : i32
        %get3A_422 = arith.index_cast %add3A_421 : i32 to index
        %get3A_423 = tpu.vector_load %arg7[%get3A_422] {strides = array<i32>} : memref<32768xi32, #tpu.memory_space<vmem>>, vector<16xi32>,
        %mul3A_424 = arith.constant 16 : i32
        %mul3A_425 = arith.muli %add3A_406, %mul3A_424 : i32
        %add3A_426 = arith.constant 12288 : i32
        %add3A_427 = arith.addi %add3A_426, %mul3A_425 : i32
        %get3A_428 = arith.index_cast %add3A_427 : i32 to index
        %get3A_429 = tpu.vector_load %arg7[%get3A_428] {strides = array<i32>} : memref<32768xi32, #tpu.memory_space<vmem>>, vector<16xi32>,
        %mul3A_430 = arith.constant 2731 : i32
        %mul3A_431 = vector.broadcast %mul3A_430 : i32 to vector<16xi32>
        %mul3A_432 = arith.muli %get3A_423, %mul3A_431 : vector<16xi32>
        %shift_right_arithmetic3A = arith.constant 15 : i32
        %shift_right_arithmetic3A_433 = vector.broadcast %shift_right_arithmetic3A : i32 to vector<16xi32>
        %shift_right_arithmetic3A_434 = arith.shrsi %mul3A_432, %shift_right_arithmetic3A_433 : vector<16xi32>
        %mul3A_435 = arith.constant 12 : i32
        %mul3A_436 = vector.broadcast %mul3A_435 : i32 to vector<16xi32>
        %mul3A_437 = arith.muli %shift_right_arithmetic3A_434, %mul3A_436 : vector<16xi32>
        %sub3A_438 = arith.subi %get3A_423, %mul3A_437 : vector<16xi32>
        %mul3A_439 = arith.constant 2731 : i32
        %mul3A_440 = vector.broadcast %mul3A_439 : i32 to vector<16xi32>
        %mul3A_441 = arith.muli %get3A_429, %mul3A_440 : vector<16xi32>
        %shift_right_arithmetic3A_442 = arith.constant 15 : i32
        %shift_right_arithmetic3A_443 = vector.broadcast %shift_right_arithmetic3A_442 : i32 to vector<16xi32>
        %shift_right_arithmetic3A_444 = arith.shrsi %mul3A_441, %shift_right_arithmetic3A_443 : vector<16xi32>
        %mul3A_445 = arith.constant 12 : i32
        %mul3A_446 = vector.broadcast %mul3A_445 : i32 to vector<16xi32>
        %mul3A_447 = arith.muli %shift_right_arithmetic3A_444, %mul3A_446 : vector<16xi32>
        %sub3A_448 = arith.subi %get3A_429, %mul3A_447 : vector<16xi32>
        %mul3A_449 = arith.constant 41472 : i32
        %mul3A_450 = vector.broadcast %mul3A_449 : i32 to vector<16xi32>
        %mul3A_451 = arith.muli %get3A_411, %mul3A_450 : vector<16xi32>
        %mul3A_452 = arith.constant 13824 : i32
        %mul3A_453 = vector.broadcast %mul3A_452 : i32 to vector<16xi32>
        %mul3A_454 = arith.muli %shift_right_arithmetic3A_434, %mul3A_453 : vector<16xi32>
        %add3A_455 = arith.addi %mul3A_451, %mul3A_454 : vector<16xi32>
        %mul3A_456 = arith.constant 4608 : i32
        %mul3A_457 = vector.broadcast %mul3A_456 : i32 to vector<16xi32>
        %mul3A_458 = arith.muli %shift_right_arithmetic3A_444, %mul3A_457 : vector<16xi32>
        %add3A_459 = arith.addi %add3A_455, %mul3A_458 : vector<16xi32>
        %mul3A_460 = arith.constant 384 : i32
        %mul3A_461 = vector.broadcast %mul3A_460 : i32 to vector<16xi32>
        %mul3A_462 = arith.muli %sub3A_438, %mul3A_461 : vector<16xi32>
        %add3A_463 = arith.addi %add3A_459, %mul3A_462 : vector<16xi32>
        %mul3A_464 = arith.constant 32 : i32
        %mul3A_465 = vector.broadcast %mul3A_464 : i32 to vector<16xi32>
        %mul3A_466 = arith.muli %sub3A_448, %mul3A_465 : vector<16xi32>
        %add3A_467 = arith.addi %add3A_463, %mul3A_466 : vector<16xi32>
        %add3A_468 = arith.addi %add3A_467, %get3A_417 : vector<16xi32>
        %mul3A_469 = arith.constant 16 : i32
        %mul3A_470 = arith.muli %add3A_406, %mul3A_469 : i32
        %add3A_471 = arith.constant 8192 : i32
        %add3A_472 = arith.addi %add3A_471, %mul3A_470 : i32
        %swap3A = arith.index_cast %add3A_472 : i32 to index
        %swap3A_473 = tpu.vector_load %arg4[%swap3A] {strides = array<i32>} : memref<16384xi32, #tpu.memory_space<vmem>>, vector<16xi32>,
        tpu.vector_store %arg4[%swap3A], %add3A_468 {strides = array<i32>} : memref<16384xi32, #tpu.memory_space<vmem>>, vector<16xi32>,
        %and3A = arith.constant 2047 : i32
        %and3A_474 = vector.broadcast %and3A : i32 to vector<16xi32>
        %and3A_475 = arith.andi %add3A_468, %and3A_474 : vector<16xi32>
        %add3A_476 = arith.constant 512 : i32
        %add3A_477 = arith.addi %add3A_476, %add3A_406 : i32
        %broadcast_in_dim3A_478 = arith.constant true
        %broadcast_in_dim3A_479 = vector.broadcast %broadcast_in_dim3A_478 : i1 to vector<16xi1>
        %unique3A_480, %unique3A_481 = tpu.scan_count mask(%broadcast_in_dim3A_479 : vector<16xi1>) value(%and3A_475 : vector<16xi32>) : vector<16xi1>, vector<16xi32>
        %gather3A = tpu.vector_load_idx %arg8[%and3A_475] : memref<2048xi32, #tpu.memory_space<vmem>>[vector<16xi32>], vector<16xi32>,
        %sub3A_482 = vector.broadcast %reduce_min3A_14 : i32 to vector<16xi32>
        %sub3A_483 = arith.subi %unique3A_481, %sub3A_482 : vector<16xi32>
        %add3A_484 = arith.addi %gather3A, %sub3A_483 : vector<16xi32>
        %mul3A_485 = arith.constant 16 : i32
        %mul3A_486 = arith.muli %add3A_477, %mul3A_485 : i32
        %swap3A_487 = arith.index_cast %mul3A_486 : i32 to index
        %swap3A_488 = tpu.vector_load %arg6[%swap3A_487] {strides = array<i32>} : memref<16384xi32, #tpu.memory_space<vmem>>, vector<16xi32>,
        tpu.vector_store %arg6[%swap3A_487], %add3A_484 {strides = array<i32>} : memref<16384xi32, #tpu.memory_space<vmem>>, vector<16xi32>,
        %add3A_489 = vector.broadcast %sub3A_15 : i32 to vector<16xi32>
        %add3A_490 = arith.addi %unique3A_481, %add3A_489 : vector<16xi32>
        tpu.vector_store_idx %arg8[%and3A_475], %add3A_490 masked %unique3A_480 {add = true} : memref<2048xi32, #tpu.memory_space<vmem>>[vector<16xi32>], vector<16xi32>, vector<16xi1>
        %mul3A_491 = arith.constant 2 : i32
        %mul3A_492 = arith.muli %scan3A_401, %mul3A_491 : i32
        %add3A_493 = arith.constant 1 : i32
        %add3A_494 = arith.addi %mul3A_492, %add3A_493 : i32
        %mul3A_495 = arith.constant 16 : i32
        %mul3A_496 = arith.muli %add3A_494, %mul3A_495 : i32
        %add3A_497 = arith.constant 0 : i32
        %add3A_498 = arith.addi %add3A_497, %mul3A_496 : i32
        %get3A_499 = arith.index_cast %add3A_498 : i32 to index
        %get3A_500 = tpu.vector_load %arg7[%get3A_499] {strides = array<i32>} : memref<32768xi32, #tpu.memory_space<vmem>>, vector<16xi32>,
        %mul3A_501 = arith.constant 16 : i32
        %mul3A_502 = arith.muli %add3A_494, %mul3A_501 : i32
        %add3A_503 = arith.constant 4096 : i32
        %add3A_504 = arith.addi %add3A_503, %mul3A_502 : i32
        %get3A_505 = arith.index_cast %add3A_504 : i32 to index
        %get3A_506 = tpu.vector_load %arg7[%get3A_505] {strides = array<i32>} : memref<32768xi32, #tpu.memory_space<vmem>>, vector<16xi32>,
        %mul3A_507 = arith.constant 16 : i32
        %mul3A_508 = arith.muli %add3A_494, %mul3A_507 : i32
        %add3A_509 = arith.constant 8192 : i32
        %add3A_510 = arith.addi %add3A_509, %mul3A_508 : i32
        %get3A_511 = arith.index_cast %add3A_510 : i32 to index
        %get3A_512 = tpu.vector_load %arg7[%get3A_511] {strides = array<i32>} : memref<32768xi32, #tpu.memory_space<vmem>>, vector<16xi32>,
        %mul3A_513 = arith.constant 16 : i32
        %mul3A_514 = arith.muli %add3A_494, %mul3A_513 : i32
        %add3A_515 = arith.constant 12288 : i32
        %add3A_516 = arith.addi %add3A_515, %mul3A_514 : i32
        %get3A_517 = arith.index_cast %add3A_516 : i32 to index
        %get3A_518 = tpu.vector_load %arg7[%get3A_517] {strides = array<i32>} : memref<32768xi32, #tpu.memory_space<vmem>>, vector<16xi32>,
        %mul3A_519 = arith.constant 2731 : i32
        %mul3A_520 = vector.broadcast %mul3A_519 : i32 to vector<16xi32>
        %mul3A_521 = arith.muli %get3A_512, %mul3A_520 : vector<16xi32>
        %shift_right_arithmetic3A_522 = arith.constant 15 : i32
        %shift_right_arithmetic3A_523 = vector.broadcast %shift_right_arithmetic3A_522 : i32 to vector<16xi32>
        %shift_right_arithmetic3A_524 = arith.shrsi %mul3A_521, %shift_right_arithmetic3A_523 : vector<16xi32>
        %mul3A_525 = arith.constant 12 : i32
        %mul3A_526 = vector.broadcast %mul3A_525 : i32 to vector<16xi32>
        %mul3A_527 = arith.muli %shift_right_arithmetic3A_524, %mul3A_526 : vector<16xi32>
        %sub3A_528 = arith.subi %get3A_512, %mul3A_527 : vector<16xi32>
        %mul3A_529 = arith.constant 2731 : i32
        %mul3A_530 = vector.broadcast %mul3A_529 : i32 to vector<16xi32>
        %mul3A_531 = arith.muli %get3A_518, %mul3A_530 : vector<16xi32>
        %shift_right_arithmetic3A_532 = arith.constant 15 : i32
        %shift_right_arithmetic3A_533 = vector.broadcast %shift_right_arithmetic3A_532 : i32 to vector<16xi32>
        %shift_right_arithmetic3A_534 = arith.shrsi %mul3A_531, %shift_right_arithmetic3A_533 : vector<16xi32>
        %mul3A_535 = arith.constant 12 : i32
        %mul3A_536 = vector.broadcast %mul3A_535 : i32 to vector<16xi32>
        %mul3A_537 = arith.muli %shift_right_arithmetic3A_534, %mul3A_536 : vector<16xi32>
        %sub3A_538 = arith.subi %get3A_518, %mul3A_537 : vector<16xi32>
        %mul3A_539 = arith.constant 41472 : i32
        %mul3A_540 = vector.broadcast %mul3A_539 : i32 to vector<16xi32>
        %mul3A_541 = arith.muli %get3A_500, %mul3A_540 : vector<16xi32>
        %mul3A_542 = arith.constant 13824 : i32
        %mul3A_543 = vector.broadcast %mul3A_542 : i32 to vector<16xi32>
        %mul3A_544 = arith.muli %shift_right_arithmetic3A_524, %mul3A_543 : vector<16xi32>
        %add3A_545 = arith.addi %mul3A_541, %mul3A_544 : vector<16xi32>
        %mul3A_546 = arith.constant 4608 : i32
        %mul3A_547 = vector.broadcast %mul3A_546 : i32 to vector<16xi32>
        %mul3A_548 = arith.muli %shift_right_arithmetic3A_534, %mul3A_547 : vector<16xi32>
        %add3A_549 = arith.addi %add3A_545, %mul3A_548 : vector<16xi32>
        %mul3A_550 = arith.constant 384 : i32
        %mul3A_551 = vector.broadcast %mul3A_550 : i32 to vector<16xi32>
        %mul3A_552 = arith.muli %sub3A_528, %mul3A_551 : vector<16xi32>
        %add3A_553 = arith.addi %add3A_549, %mul3A_552 : vector<16xi32>
        %mul3A_554 = arith.constant 32 : i32
        %mul3A_555 = vector.broadcast %mul3A_554 : i32 to vector<16xi32>
        %mul3A_556 = arith.muli %sub3A_538, %mul3A_555 : vector<16xi32>
        %add3A_557 = arith.addi %add3A_553, %mul3A_556 : vector<16xi32>
        %add3A_558 = arith.addi %add3A_557, %get3A_506 : vector<16xi32>
        %mul3A_559 = arith.constant 16 : i32
        %mul3A_560 = arith.muli %add3A_494, %mul3A_559 : i32
        %add3A_561 = arith.constant 8192 : i32
        %add3A_562 = arith.addi %add3A_561, %mul3A_560 : i32
        %swap3A_563 = arith.index_cast %add3A_562 : i32 to index
        %swap3A_564 = tpu.vector_load %arg4[%swap3A_563] {strides = array<i32>} : memref<16384xi32, #tpu.memory_space<vmem>>, vector<16xi32>,
        tpu.vector_store %arg4[%swap3A_563], %add3A_558 {strides = array<i32>} : memref<16384xi32, #tpu.memory_space<vmem>>, vector<16xi32>,
        %and3A_565 = arith.constant 2047 : i32
        %and3A_566 = vector.broadcast %and3A_565 : i32 to vector<16xi32>
        %and3A_567 = arith.andi %add3A_558, %and3A_566 : vector<16xi32>
        %add3A_568 = arith.constant 512 : i32
        %add3A_569 = arith.addi %add3A_568, %add3A_494 : i32
        %broadcast_in_dim3A_570 = arith.constant true
        %broadcast_in_dim3A_571 = vector.broadcast %broadcast_in_dim3A_570 : i1 to vector<16xi1>
        %unique3A_572, %unique3A_573 = tpu.scan_count mask(%broadcast_in_dim3A_571 : vector<16xi1>) value(%and3A_567 : vector<16xi32>) : vector<16xi1>, vector<16xi32>
        %gather3A_574 = tpu.vector_load_idx %arg8[%and3A_567] : memref<2048xi32, #tpu.memory_space<vmem>>[vector<16xi32>], vector<16xi32>,
        %sub3A_575 = vector.broadcast %reduce_min3A_14 : i32 to vector<16xi32>
        %sub3A_576 = arith.subi %unique3A_573, %sub3A_575 : vector<16xi32>
        %add3A_577 = arith.addi %gather3A_574, %sub3A_576 : vector<16xi32>
        %mul3A_578 = arith.constant 16 : i32
        %mul3A_579 = arith.muli %add3A_569, %mul3A_578 : i32
        %swap3A_580 = arith.index_cast %mul3A_579 : i32 to index
        %swap3A_581 = tpu.vector_load %arg6[%swap3A_580] {strides = array<i32>} : memref<16384xi32, #tpu.memory_space<vmem>>, vector<16xi32>,
        tpu.vector_store %arg6[%swap3A_580], %add3A_577 {strides = array<i32>} : memref<16384xi32, #tpu.memory_space<vmem>>, vector<16xi32>,
        %add3A_582 = vector.broadcast %sub3A_15 : i32 to vector<16xi32>
        %add3A_583 = arith.addi %unique3A_573, %add3A_582 : vector<16xi32>
        tpu.vector_store_idx %arg8[%and3A_567], %add3A_583 masked %unique3A_572 {add = true} : memref<2048xi32, #tpu.memory_space<vmem>>[vector<16xi32>], vector<16xi32>, vector<16xi1>
        %scan3A_584 = arith.constant 0 : i32
        scf.yield %scan3A_584 : i32
      }
      %scan3A_347 = arith.constant 128 : i32
      %dma_wait3A_348 = arith.constant 0 : i32
      %dma_wait3A_349 = arith.constant 0 : i32
      %dma_wait3A_350 = tpu.memref_slice %arg7[%dma_wait3A_349] : memref<32768xi32, #tpu.memory_space<vmem>> -> memref<4096xi32, #tpu.memory_space<vmem>>
      %dma_wait3A_351 = arith.constant 0 : i32
      %dma_wait3A_352 = tpu.memref_slice %arg2[%dma_wait3A_348, %dma_wait3A_351] : memref<4x262144xi32, #tpu.memory_space<hbm>> -> memref<1x4096xi32, #tpu.memory_space<hbm>>
      %dma_wait3A_353 = tpu.memref_squeeze %dma_wait3A_352 : memref<1x4096xi32, #tpu.memory_space<hbm>> -> memref<4096xi32, #tpu.memory_space<hbm>>
      %dma_wait3A_354 = arith.constant 0 : i32
      %dma_wait3A_355 = tpu.memref_slice %arg7[%dma_wait3A_354] : memref<32768xi32, #tpu.memory_space<vmem>> -> memref<4096xi32, #tpu.memory_space<vmem>>
      %dma_wait3A_356 = arith.constant 0 : i32
      %dma_wait3A_357 = tpu.memref_slice %arg2[%dma_wait3A_348, %dma_wait3A_356] : memref<4x262144xi32, #tpu.memory_space<hbm>> -> memref<1x4096xi32, #tpu.memory_space<hbm>>
      %dma_wait3A_358 = tpu.memref_squeeze %dma_wait3A_357 : memref<1x4096xi32, #tpu.memory_space<hbm>> -> memref<4096xi32, #tpu.memory_space<hbm>>
      tpu.wait_dma2 semaphore(%arg11 : memref<!tpu.dma_semaphore, #tpu.memory_space<semaphore_mem>>) src(%dma_wait3A_358 : memref<4096xi32, #tpu.memory_space<hbm>>) dst(%dma_wait3A_355 : memref<4096xi32, #tpu.memory_space<vmem>>)
      %dma_wait3A_359 = arith.constant 0 : i32
      %dma_wait3A_360 = arith.constant 0 : i32
      %dma_wait3A_361 = tpu.memref_slice %arg7[%dma_wait3A_360] : memref<32768xi32, #tpu.memory_space<vmem>> -> memref<4096xi32, #tpu.memory_space<vmem>>
      %dma_wait3A_362 = arith.constant 0 : i32
      %dma_wait3A_363 = tpu.memref_slice %arg2[%dma_wait3A_359, %dma_wait3A_362] : memref<4x262144xi32, #tpu.memory_space<hbm>> -> memref<1x4096xi32, #tpu.memory_space<hbm>>
      %dma_wait3A_364 = tpu.memref_squeeze %dma_wait3A_363 : memref<1x4096xi32, #tpu.memory_space<hbm>> -> memref<4096xi32, #tpu.memory_space<hbm>>
      %dma_wait3A_365 = arith.constant 0 : i32
      %dma_wait3A_366 = tpu.memref_slice %arg7[%dma_wait3A_365] : memref<32768xi32, #tpu.memory_space<vmem>> -> memref<4096xi32, #tpu.memory_space<vmem>>
      %dma_wait3A_367 = arith.constant 0 : i32
      %dma_wait3A_368 = tpu.memref_slice %arg2[%dma_wait3A_359, %dma_wait3A_367] : memref<4x262144xi32, #tpu.memory_space<hbm>> -> memref<1x4096xi32, #tpu.memory_space<hbm>>
      %dma_wait3A_369 = tpu.memref_squeeze %dma_wait3A_368 : memref<1x4096xi32, #tpu.memory_space<hbm>> -> memref<4096xi32, #tpu.memory_space<hbm>>
      tpu.wait_dma2 semaphore(%arg11 : memref<!tpu.dma_semaphore, #tpu.memory_space<semaphore_mem>>) src(%dma_wait3A_369 : memref<4096xi32, #tpu.memory_space<hbm>>) dst(%dma_wait3A_366 : memref<4096xi32, #tpu.memory_space<vmem>>)
      %dma_wait3A_370 = arith.constant 0 : i32
      %dma_wait3A_371 = arith.constant 0 : i32
      %dma_wait3A_372 = tpu.memref_slice %arg7[%dma_wait3A_371] : memref<32768xi32, #tpu.memory_space<vmem>> -> memref<4096xi32, #tpu.memory_space<vmem>>
      %dma_wait3A_373 = arith.constant 0 : i32
      %dma_wait3A_374 = tpu.memref_slice %arg2[%dma_wait3A_370, %dma_wait3A_373] : memref<4x262144xi32, #tpu.memory_space<hbm>> -> memref<1x4096xi32, #tpu.memory_space<hbm>>
      %dma_wait3A_375 = tpu.memref_squeeze %dma_wait3A_374 : memref<1x4096xi32, #tpu.memory_space<hbm>> -> memref<4096xi32, #tpu.memory_space<hbm>>
      %dma_wait3A_376 = arith.constant 0 : i32
      %dma_wait3A_377 = tpu.memref_slice %arg7[%dma_wait3A_376] : memref<32768xi32, #tpu.memory_space<vmem>> -> memref<4096xi32, #tpu.memory_space<vmem>>
      %dma_wait3A_378 = arith.constant 0 : i32
      %dma_wait3A_379 = tpu.memref_slice %arg2[%dma_wait3A_370, %dma_wait3A_378] : memref<4x262144xi32, #tpu.memory_space<hbm>> -> memref<1x4096xi32, #tpu.memory_space<hbm>>
      %dma_wait3A_380 = tpu.memref_squeeze %dma_wait3A_379 : memref<1x4096xi32, #tpu.memory_space<hbm>> -> memref<4096xi32, #tpu.memory_space<hbm>>
      tpu.wait_dma2 semaphore(%arg11 : memref<!tpu.dma_semaphore, #tpu.memory_space<semaphore_mem>>) src(%dma_wait3A_380 : memref<4096xi32, #tpu.memory_space<hbm>>) dst(%dma_wait3A_377 : memref<4096xi32, #tpu.memory_space<vmem>>)
      %dma_wait3A_381 = arith.constant 0 : i32
      %dma_wait3A_382 = arith.constant 0 : i32
      %dma_wait3A_383 = tpu.memref_slice %arg7[%dma_wait3A_382] : memref<32768xi32, #tpu.memory_space<vmem>> -> memref<4096xi32, #tpu.memory_space<vmem>>
      %dma_wait3A_384 = arith.constant 0 : i32
      %dma_wait3A_385 = tpu.memref_slice %arg2[%dma_wait3A_381, %dma_wait3A_384] : memref<4x262144xi32, #tpu.memory_space<hbm>> -> memref<1x4096xi32, #tpu.memory_space<hbm>>
      %dma_wait3A_386 = tpu.memref_squeeze %dma_wait3A_385 : memref<1x4096xi32, #tpu.memory_space<hbm>> -> memref<4096xi32, #tpu.memory_space<hbm>>
      %dma_wait3A_387 = arith.constant 0 : i32
      %dma_wait3A_388 = tpu.memref_slice %arg7[%dma_wait3A_387] : memref<32768xi32, #tpu.memory_space<vmem>> -> memref<4096xi32, #tpu.memory_space<vmem>>
      %dma_wait3A_389 = arith.constant 0 : i32
      %dma_wait3A_390 = tpu.memref_slice %arg2[%dma_wait3A_381, %dma_wait3A_389] : memref<4x262144xi32, #tpu.memory_space<hbm>> -> memref<1x4096xi32, #tpu.memory_space<hbm>>
      %dma_wait3A_391 = tpu.memref_squeeze %dma_wait3A_390 : memref<1x4096xi32, #tpu.memory_space<hbm>> -> memref<4096xi32, #tpu.memory_space<hbm>>
      tpu.wait_dma2 semaphore(%arg11 : memref<!tpu.dma_semaphore, #tpu.memory_space<semaphore_mem>>) src(%dma_wait3A_391 : memref<4096xi32, #tpu.memory_space<hbm>>) dst(%dma_wait3A_388 : memref<4096xi32, #tpu.memory_space<vmem>>)
      %scan3A_392 = arith.constant 0 : i32
      %scan3A_393 = arith.constant 0 : i32
      %scan3A_394 = arith.constant 128 : i32
      %scan3A_395 = arith.addi %scan3A_393, %scan3A_394 : i32
      %scan3A_396 = arith.constant 1 : i32
      %scan3A_397 = scf.for %scan3A_401 = %scan3A_393 to %scan3A_395 step %scan3A_396 iter_args(%scan3A_402 = %scan3A_392) -> (i32)  : i32 {
        %mul3A_403 = arith.constant 2 : i32
        %mul3A_404 = arith.muli %scan3A_401, %mul3A_403 : i32
        %add3A_405 = arith.constant 0 : i32
        %add3A_406 = arith.addi %mul3A_404, %add3A_405 : i32
        %mul3A_407 = arith.constant 16 : i32
        %mul3A_408 = arith.muli %add3A_406, %mul3A_407 : i32
        %add3A_409 = arith.constant 16384 : i32
        %add3A_410 = arith.addi %add3A_409, %mul3A_408 : i32
        %get3A = arith.index_cast %add3A_410 : i32 to index
        %get3A_411 = tpu.vector_load %arg7[%get3A] {strides = array<i32>} : memref<32768xi32, #tpu.memory_space<vmem>>, vector<16xi32>,
        %mul3A_412 = arith.constant 16 : i32
        %mul3A_413 = arith.muli %add3A_406, %mul3A_412 : i32
        %add3A_414 = arith.constant 20480 : i32
        %add3A_415 = arith.addi %add3A_414, %mul3A_413 : i32
        %get3A_416 = arith.index_cast %add3A_415 : i32 to index
        %get3A_417 = tpu.vector_load %arg7[%get3A_416] {strides = array<i32>} : memref<32768xi32, #tpu.memory_space<vmem>>, vector<16xi32>,
        %mul3A_418 = arith.constant 16 : i32
        %mul3A_419 = arith.muli %add3A_406, %mul3A_418 : i32
        %add3A_420 = arith.constant 24576 : i32
        %add3A_421 = arith.addi %add3A_420, %mul3A_419 : i32
        %get3A_422 = arith.index_cast %add3A_421 : i32 to index
        %get3A_423 = tpu.vector_load %arg7[%get3A_422] {strides = array<i32>} : memref<32768xi32, #tpu.memory_space<vmem>>, vector<16xi32>,
        %mul3A_424 = arith.constant 16 : i32
        %mul3A_425 = arith.muli %add3A_406, %mul3A_424 : i32
        %add3A_426 = arith.constant 28672 : i32
        %add3A_427 = arith.addi %add3A_426, %mul3A_425 : i32
        %get3A_428 = arith.index_cast %add3A_427 : i32 to index
        %get3A_429 = tpu.vector_load %arg7[%get3A_428] {strides = array<i32>} : memref<32768xi32, #tpu.memory_space<vmem>>, vector<16xi32>,
        %mul3A_430 = arith.constant 2731 : i32
        %mul3A_431 = vector.broadcast %mul3A_430 : i32 to vector<16xi32>
        %mul3A_432 = arith.muli %get3A_423, %mul3A_431 : vector<16xi32>
        %shift_right_arithmetic3A = arith.constant 15 : i32
        %shift_right_arithmetic3A_433 = vector.broadcast %shift_right_arithmetic3A : i32 to vector<16xi32>
        %shift_right_arithmetic3A_434 = arith.shrsi %mul3A_432, %shift_right_arithmetic3A_433 : vector<16xi32>
        %mul3A_435 = arith.constant 12 : i32
        %mul3A_436 = vector.broadcast %mul3A_435 : i32 to vector<16xi32>
        %mul3A_437 = arith.muli %shift_right_arithmetic3A_434, %mul3A_436 : vector<16xi32>
        %sub3A_438 = arith.subi %get3A_423, %mul3A_437 : vector<16xi32>
        %mul3A_439 = arith.constant 2731 : i32
        %mul3A_440 = vector.broadcast %mul3A_439 : i32 to vector<16xi32>
        %mul3A_441 = arith.muli %get3A_429, %mul3A_440 : vector<16xi32>
        %shift_right_arithmetic3A_442 = arith.constant 15 : i32
        %shift_right_arithmetic3A_443 = vector.broadcast %shift_right_arithmetic3A_442 : i32 to vector<16xi32>
        %shift_right_arithmetic3A_444 = arith.shrsi %mul3A_441, %shift_right_arithmetic3A_443 : vector<16xi32>
        %mul3A_445 = arith.constant 12 : i32
        %mul3A_446 = vector.broadcast %mul3A_445 : i32 to vector<16xi32>
        %mul3A_447 = arith.muli %shift_right_arithmetic3A_444, %mul3A_446 : vector<16xi32>
        %sub3A_448 = arith.subi %get3A_429, %mul3A_447 : vector<16xi32>
        %mul3A_449 = arith.constant 41472 : i32
        %mul3A_450 = vector.broadcast %mul3A_449 : i32 to vector<16xi32>
        %mul3A_451 = arith.muli %get3A_411, %mul3A_450 : vector<16xi32>
        %mul3A_452 = arith.constant 13824 : i32
        %mul3A_453 = vector.broadcast %mul3A_452 : i32 to vector<16xi32>
        %mul3A_454 = arith.muli %shift_right_arithmetic3A_434, %mul3A_453 : vector<16xi32>
        %add3A_455 = arith.addi %mul3A_451, %mul3A_454 : vector<16xi32>
        %mul3A_456 = arith.constant 4608 : i32
        %mul3A_457 = vector.broadcast %mul3A_456 : i32 to vector<16xi32>
        %mul3A_458 = arith.muli %shift_right_arithmetic3A_444, %mul3A_457 : vector<16xi32>
        %add3A_459 = arith.addi %add3A_455, %mul3A_458 : vector<16xi32>
        %mul3A_460 = arith.constant 384 : i32
        %mul3A_461 = vector.broadcast %mul3A_460 : i32 to vector<16xi32>
        %mul3A_462 = arith.muli %sub3A_438, %mul3A_461 : vector<16xi32>
        %add3A_463 = arith.addi %add3A_459, %mul3A_462 : vector<16xi32>
        %mul3A_464 = arith.constant 32 : i32
        %mul3A_465 = vector.broadcast %mul3A_464 : i32 to vector<16xi32>
        %mul3A_466 = arith.muli %sub3A_448, %mul3A_465 : vector<16xi32>
        %add3A_467 = arith.addi %add3A_463, %mul3A_466 : vector<16xi32>
        %add3A_468 = arith.addi %add3A_467, %get3A_417 : vector<16xi32>
        %mul3A_469 = arith.constant 16 : i32
        %mul3A_470 = arith.muli %add3A_406, %mul3A_469 : i32
        %add3A_471 = arith.constant 12288 : i32
        %add3A_472 = arith.addi %add3A_471, %mul3A_470 : i32
        %swap3A = arith.index_cast %add3A_472 : i32 to index
        %swap3A_473 = tpu.vector_load %arg4[%swap3A] {strides = array<i32>} : memref<16384xi32, #tpu.memory_space<vmem>>, vector<16xi32>,
        tpu.vector_store %arg4[%swap3A], %add3A_468 {strides = array<i32>} : memref<16384xi32, #tpu.memory_space<vmem>>, vector<16xi32>,
        %and3A = arith.constant 2047 : i32
        %and3A_474 = vector.broadcast %and3A : i32 to vector<16xi32>
        %and3A_475 = arith.andi %add3A_468, %and3A_474 : vector<16xi32>
        %add3A_476 = arith.constant 768 : i32
        %add3A_477 = arith.addi %add3A_476, %add3A_406 : i32
        %broadcast_in_dim3A_478 = arith.constant true
        %broadcast_in_dim3A_479 = vector.broadcast %broadcast_in_dim3A_478 : i1 to vector<16xi1>
        %unique3A_480, %unique3A_481 = tpu.scan_count mask(%broadcast_in_dim3A_479 : vector<16xi1>) value(%and3A_475 : vector<16xi32>) : vector<16xi1>, vector<16xi32>
        %gather3A = tpu.vector_load_idx %arg8[%and3A_475] : memref<2048xi32, #tpu.memory_space<vmem>>[vector<16xi32>], vector<16xi32>,
        %sub3A_482 = vector.broadcast %reduce_min3A_14 : i32 to vector<16xi32>
        %sub3A_483 = arith.subi %unique3A_481, %sub3A_482 : vector<16xi32>
        %add3A_484 = arith.addi %gather3A, %sub3A_483 : vector<16xi32>
        %mul3A_485 = arith.constant 16 : i32
        %mul3A_486 = arith.muli %add3A_477, %mul3A_485 : i32
        %swap3A_487 = arith.index_cast %mul3A_486 : i32 to index
        %swap3A_488 = tpu.vector_load %arg6[%swap3A_487] {strides = array<i32>} : memref<16384xi32, #tpu.memory_space<vmem>>, vector<16xi32>,
        tpu.vector_store %arg6[%swap3A_487], %add3A_484 {strides = array<i32>} : memref<16384xi32, #tpu.memory_space<vmem>>, vector<16xi32>,
        %add3A_489 = vector.broadcast %sub3A_15 : i32 to vector<16xi32>
        %add3A_490 = arith.addi %unique3A_481, %add3A_489 : vector<16xi32>
        tpu.vector_store_idx %arg8[%and3A_475], %add3A_490 masked %unique3A_480 {add = true} : memref<2048xi32, #tpu.memory_space<vmem>>[vector<16xi32>], vector<16xi32>, vector<16xi1>
        %mul3A_491 = arith.constant 2 : i32
        %mul3A_492 = arith.muli %scan3A_401, %mul3A_491 : i32
        %add3A_493 = arith.constant 1 : i32
        %add3A_494 = arith.addi %mul3A_492, %add3A_493 : i32
        %mul3A_495 = arith.constant 16 : i32
        %mul3A_496 = arith.muli %add3A_494, %mul3A_495 : i32
        %add3A_497 = arith.constant 16384 : i32
        %add3A_498 = arith.addi %add3A_497, %mul3A_496 : i32
        %get3A_499 = arith.index_cast %add3A_498 : i32 to index
        %get3A_500 = tpu.vector_load %arg7[%get3A_499] {strides = array<i32>} : memref<32768xi32, #tpu.memory_space<vmem>>, vector<16xi32>,
        %mul3A_501 = arith.constant 16 : i32
        %mul3A_502 = arith.muli %add3A_494, %mul3A_501 : i32
        %add3A_503 = arith.constant 20480 : i32
        %add3A_504 = arith.addi %add3A_503, %mul3A_502 : i32
        %get3A_505 = arith.index_cast %add3A_504 : i32 to index
        %get3A_506 = tpu.vector_load %arg7[%get3A_505] {strides = array<i32>} : memref<32768xi32, #tpu.memory_space<vmem>>, vector<16xi32>,
        %mul3A_507 = arith.constant 16 : i32
        %mul3A_508 = arith.muli %add3A_494, %mul3A_507 : i32
        %add3A_509 = arith.constant 24576 : i32
        %add3A_510 = arith.addi %add3A_509, %mul3A_508 : i32
        %get3A_511 = arith.index_cast %add3A_510 : i32 to index
        %get3A_512 = tpu.vector_load %arg7[%get3A_511] {strides = array<i32>} : memref<32768xi32, #tpu.memory_space<vmem>>, vector<16xi32>,
        %mul3A_513 = arith.constant 16 : i32
        %mul3A_514 = arith.muli %add3A_494, %mul3A_513 : i32
        %add3A_515 = arith.constant 28672 : i32
        %add3A_516 = arith.addi %add3A_515, %mul3A_514 : i32
        %get3A_517 = arith.index_cast %add3A_516 : i32 to index
        %get3A_518 = tpu.vector_load %arg7[%get3A_517] {strides = array<i32>} : memref<32768xi32, #tpu.memory_space<vmem>>, vector<16xi32>,
        %mul3A_519 = arith.constant 2731 : i32
        %mul3A_520 = vector.broadcast %mul3A_519 : i32 to vector<16xi32>
        %mul3A_521 = arith.muli %get3A_512, %mul3A_520 : vector<16xi32>
        %shift_right_arithmetic3A_522 = arith.constant 15 : i32
        %shift_right_arithmetic3A_523 = vector.broadcast %shift_right_arithmetic3A_522 : i32 to vector<16xi32>
        %shift_right_arithmetic3A_524 = arith.shrsi %mul3A_521, %shift_right_arithmetic3A_523 : vector<16xi32>
        %mul3A_525 = arith.constant 12 : i32
        %mul3A_526 = vector.broadcast %mul3A_525 : i32 to vector<16xi32>
        %mul3A_527 = arith.muli %shift_right_arithmetic3A_524, %mul3A_526 : vector<16xi32>
        %sub3A_528 = arith.subi %get3A_512, %mul3A_527 : vector<16xi32>
        %mul3A_529 = arith.constant 2731 : i32
        %mul3A_530 = vector.broadcast %mul3A_529 : i32 to vector<16xi32>
        %mul3A_531 = arith.muli %get3A_518, %mul3A_530 : vector<16xi32>
        %shift_right_arithmetic3A_532 = arith.constant 15 : i32
        %shift_right_arithmetic3A_533 = vector.broadcast %shift_right_arithmetic3A_532 : i32 to vector<16xi32>
        %shift_right_arithmetic3A_534 = arith.shrsi %mul3A_531, %shift_right_arithmetic3A_533 : vector<16xi32>
        %mul3A_535 = arith.constant 12 : i32
        %mul3A_536 = vector.broadcast %mul3A_535 : i32 to vector<16xi32>
        %mul3A_537 = arith.muli %shift_right_arithmetic3A_534, %mul3A_536 : vector<16xi32>
        %sub3A_538 = arith.subi %get3A_518, %mul3A_537 : vector<16xi32>
        %mul3A_539 = arith.constant 41472 : i32
        %mul3A_540 = vector.broadcast %mul3A_539 : i32 to vector<16xi32>
        %mul3A_541 = arith.muli %get3A_500, %mul3A_540 : vector<16xi32>
        %mul3A_542 = arith.constant 13824 : i32
        %mul3A_543 = vector.broadcast %mul3A_542 : i32 to vector<16xi32>
        %mul3A_544 = arith.muli %shift_right_arithmetic3A_524, %mul3A_543 : vector<16xi32>
        %add3A_545 = arith.addi %mul3A_541, %mul3A_544 : vector<16xi32>
        %mul3A_546 = arith.constant 4608 : i32
        %mul3A_547 = vector.broadcast %mul3A_546 : i32 to vector<16xi32>
        %mul3A_548 = arith.muli %shift_right_arithmetic3A_534, %mul3A_547 : vector<16xi32>
        %add3A_549 = arith.addi %add3A_545, %mul3A_548 : vector<16xi32>
        %mul3A_550 = arith.constant 384 : i32
        %mul3A_551 = vector.broadcast %mul3A_550 : i32 to vector<16xi32>
        %mul3A_552 = arith.muli %sub3A_528, %mul3A_551 : vector<16xi32>
        %add3A_553 = arith.addi %add3A_549, %mul3A_552 : vector<16xi32>
        %mul3A_554 = arith.constant 32 : i32
        %mul3A_555 = vector.broadcast %mul3A_554 : i32 to vector<16xi32>
        %mul3A_556 = arith.muli %sub3A_538, %mul3A_555 : vector<16xi32>
        %add3A_557 = arith.addi %add3A_553, %mul3A_556 : vector<16xi32>
        %add3A_558 = arith.addi %add3A_557, %get3A_506 : vector<16xi32>
        %mul3A_559 = arith.constant 16 : i32
        %mul3A_560 = arith.muli %add3A_494, %mul3A_559 : i32
        %add3A_561 = arith.constant 12288 : i32
        %add3A_562 = arith.addi %add3A_561, %mul3A_560 : i32
        %swap3A_563 = arith.index_cast %add3A_562 : i32 to index
        %swap3A_564 = tpu.vector_load %arg4[%swap3A_563] {strides = array<i32>} : memref<16384xi32, #tpu.memory_space<vmem>>, vector<16xi32>,
        tpu.vector_store %arg4[%swap3A_563], %add3A_558 {strides = array<i32>} : memref<16384xi32, #tpu.memory_space<vmem>>, vector<16xi32>,
        %and3A_565 = arith.constant 2047 : i32
        %and3A_566 = vector.broadcast %and3A_565 : i32 to vector<16xi32>
        %and3A_567 = arith.andi %add3A_558, %and3A_566 : vector<16xi32>
        %add3A_568 = arith.constant 768 : i32
        %add3A_569 = arith.addi %add3A_568, %add3A_494 : i32
        %broadcast_in_dim3A_570 = arith.constant true
        %broadcast_in_dim3A_571 = vector.broadcast %broadcast_in_dim3A_570 : i1 to vector<16xi1>
        %unique3A_572, %unique3A_573 = tpu.scan_count mask(%broadcast_in_dim3A_571 : vector<16xi1>) value(%and3A_567 : vector<16xi32>) : vector<16xi1>, vector<16xi32>
        %gather3A_574 = tpu.vector_load_idx %arg8[%and3A_567] : memref<2048xi32, #tpu.memory_space<vmem>>[vector<16xi32>], vector<16xi32>,
        %sub3A_575 = vector.broadcast %reduce_min3A_14 : i32 to vector<16xi32>
        %sub3A_576 = arith.subi %unique3A_573, %sub3A_575 : vector<16xi32>
        %add3A_577 = arith.addi %gather3A_574, %sub3A_576 : vector<16xi32>
        %mul3A_578 = arith.constant 16 : i32
        %mul3A_579 = arith.muli %add3A_569, %mul3A_578 : i32
        %swap3A_580 = arith.index_cast %mul3A_579 : i32 to index
        %swap3A_581 = tpu.vector_load %arg6[%swap3A_580] {strides = array<i32>} : memref<16384xi32, #tpu.memory_space<vmem>>, vector<16xi32>,
        tpu.vector_store %arg6[%swap3A_580], %add3A_577 {strides = array<i32>} : memref<16384xi32, #tpu.memory_space<vmem>>, vector<16xi32>,
        %add3A_582 = vector.broadcast %sub3A_15 : i32 to vector<16xi32>
        %add3A_583 = arith.addi %unique3A_573, %add3A_582 : vector<16xi32>
        tpu.vector_store_idx %arg8[%and3A_567], %add3A_583 masked %unique3A_572 {add = true} : memref<2048xi32, #tpu.memory_space<vmem>>[vector<16xi32>], vector<16xi32>, vector<16xi1>
        %scan3A_584 = arith.constant 0 : i32
        scf.yield %scan3A_584 : i32
      }
      %scan3A_398 = arith.constant 128 : i32
      %mul3A_399 = arith.constant 2048 : i32
      %mul3A_400 = arith.muli %arg1, %mul3A_399 : i32
      "tpu.region"() ({
        %run_scoped3A = tpu.sem_alloc : memref<!tpu.dma_semaphore, #tpu.memory_space<semaphore_mem>>
        %dma_start3A_401 = tpu.memref_slice %arg13[%mul3A_400] : memref<32768xi32, #tpu.memory_space<vmem_shared>> -> memref<2048xi32, #tpu.memory_space<vmem_shared>>
        %dma_start3A_402 = tpu.memref_slice %arg13[%mul3A_400] : memref<32768xi32, #tpu.memory_space<vmem_shared>> -> memref<2048xi32, #tpu.memory_space<vmem_shared>>
        tpu.enqueue_dma source(%arg8 : memref<2048xi32, #tpu.memory_space<vmem>>) target(%dma_start3A_402 : memref<2048xi32, #tpu.memory_space<vmem_shared>>) target_semaphore(%run_scoped3A : memref<!tpu.dma_semaphore, #tpu.memory_space<semaphore_mem>>)
        %dma_wait3A_403 = tpu.memref_slice %arg13[%mul3A_400] : memref<32768xi32, #tpu.memory_space<vmem_shared>> -> memref<2048xi32, #tpu.memory_space<vmem_shared>>
        %dma_wait3A_404 = tpu.memref_slice %arg13[%mul3A_400] : memref<32768xi32, #tpu.memory_space<vmem_shared>> -> memref<2048xi32, #tpu.memory_space<vmem_shared>>
        tpu.wait_dma2 semaphore(%run_scoped3A : memref<!tpu.dma_semaphore, #tpu.memory_space<semaphore_mem>>) src(%arg8 : memref<2048xi32, #tpu.memory_space<vmem>>) dst(%dma_wait3A_404 : memref<2048xi32, #tpu.memory_space<vmem_shared>>)
        tpu.yield
      }) : () -> ()
      %barrier3A = arith.constant 0 : index
      tpu.barrier barrier_id(%barrier3A)
    } else {
    }
    return
  }
}

</mosaic_0001>

<sc_bundles>
// kernel: _impl.3.cloned.1.call-start
scs
__scs_entry_jumppad:
0x0: {  	(pc) =	sbr.rel $0x88, $3  }
0x1: {  	(tag) =	ssettag $0x0;
	lr =	simm.s32 $0x1  }
0x2: {  	[smem:$0x3FA0] =	sst lr;
	_ =	strace $0xD0000000  }
0x3: {  	_ = 	snop  }
0x4: {  	_ = 	snop  }
0x5: {  	_ = 	snop  }
0x6: {  	_ = 	snop  }
0x7: {  	_ = 	snop  }
__scs_overlays_trampoline_lowered:
0x8: {  	[smem:$0x3FAF] =	sst s0  }
0x9: {  	[smem:$0x3FB0] =	sst s1  }
0xa: {  	[smem:$0x3FB1] =	sst s2  }
0xb: {  	[smem:$0x3FB2] =	sst s3  }
0xc: {  	[smem:$0x3FB3] =	sst s4  }
0xd: {  	[smem:$0x3FB4] =	sst s5  }
0xe: {  	[smem:$0x3FB5] =	sst s6  }
0xf: {  	[smem:$0x3FB6] =	sst s7  }
0x10: {  	[smem:$0x3FB7] =	sst s8  }
0x11: {  	[smem:$0x3FB8] =	sst s9;
	s0 =	simm.s32 @!p0 $0x0  }
0x12: {  	s1 =	sld [smem:$0x3F9E];
	s0 =	simm.s32 @p0 $0x1  }
0x13: {  	[smem:$0x3FB9] =	sst s0;
	s0 =	simm.s32 @!p1 $0x0  }
0x14: {  	s2 =	sld [smem:$0x3F9D];
	s0 =	simm.s32 @p1 $0x1  }
0x15: {  	[smem:$0x3FBA] =	sst s0;
	s0 =	simm.s32 @!p2 $0x0  }
0x16: {  	s3 =	sld [smem:$0x3FDB];
	s0 =	simm.s32 @p2 $0x1  }
0x17: {  	s4 =	simm.s32 $0x1BF5;
	[smem:$0x3FBC] =	sst s0  }
0x18: {  	s0 =	sld [smem:$0x3F9F];
	_ =	swait.ge [sflag:s4], $0x0  }
0x19: {  	s7 =	sld [smem:$0x3FA0]  }
0x1a: {  	s8 =	sadd.s32 $0xFFFFE003, lr  }
0x1b: {  	s9 =	sadd.s32 $0xFFFFFEF7, lr;
	s5 =	simm.s32 $0xFFFFFFFF;
	p2 =	slt.u32 s8, $0xFFFFF086  }
0x1c: {  	p1 =	slt.u32 s9, $0xF7A;
	s5 =	simm.s32 @!p2 $0x0  }
0x1d: {  	s5 =	simm.s32 @p1 $0x1;
	p0 =	seq.s32 s7, s2  }
0x1e: {  	s7 =	smul.u32 @!p0 $0xF7A, s2;
	p2 =	seq.s32 @!p0 s5, $0x0  }
0x1f: {  	s9 =	smul.u32 $0xF7A, s1;
	s8 =	simm.s32 @!p0 $0x1BF5;
	p2 =	por !p2, p0  }
0x20: {  	[sflag:s8] =	ssyncset.s32 @!p0 $0xFFFFF086;
	s6 =	sadd.s32 @!p0 s3, s7;
	s7 =	simm.s32 @!p0 $0x108  }
0x21: {  	s3 =	sadd.s32 s3, s9;
	s6 =	sadd.s32 @!p0 $0x88, s6;
	s7 =	simm.s32 @p2 $0x1082  }
0x22: {  	[simem:s7], [sflag:s8] =	dma.local @!p0 [hbm:s6], $0xF7A  }
0x23: {  	s9 =	sor.u32 $0xD0000000, s2;
	s6 =	simm.s32 $0x108;
	_ =	swait.ge @!p0 [sflag:s8], $0x0  }
0x24: {  	s3 =	sadd.s32 $0x88, s3;
	s6 =	simm.s32 @!p1 $0x1082;
	[sflag:s4] =	ssyncset.s32 $0xFFFFF086  }
0x25: {  	[simem:s6], [sflag:s4] =	dma.local [hbm:s3], $0xF7A  }
0x26: {  	[smem:$0x3FA0] =	sst s1;
	(tag) =	ssettag s2;
	_ =	strace s9  }
0x27: {  	s1 =	sld [smem:$0x3FB0]  }
0x28: {  	s2 =	sld [smem:$0x3FB1]  }
0x29: {  	s4 =	sld [smem:$0x3FB3]  }
0x2a: {  	p0 =	seq.s32 s5, $0x0;
	s5 =	sld [smem:$0x3FB4]  }
0x2b: {  	s6 =	sld [smem:$0x3FB5]  }
0x2c: {  	s7 =	sld [smem:$0x3FB6]  }
0x2d: {  	s3 =	simm.s32 $0x108;
	s8 =	sld [smem:$0x3FB7]  }
0x2e: {  	s3 =	simm.s32 @!p0 $0x1082;
	s9 =	sld [smem:$0x3FB8]  }
0x2f: {  	lr =	sadd.s32 s0, s3;
	s0 =	sld [smem:$0x3FAF]  }
0x30: {  	s3 =	sld [smem:$0x3FB2]  }
0x31: {  	[smem:$0x3FBB] =	sst s10  }
0x32: {  	s10 =	sld [smem:$0x3FB9];
	_ =	sdelay $0x3  }
0x33: {  	p0 =	seq.s32 s10, $0x1;
	s10 =	sld [smem:$0x3FBB];
	_ =	sdelay $0x3  }
0x34: {  	[smem:$0x3FBB] =	sst s10  }
0x35: {  	s10 =	sld [smem:$0x3FBA];
	_ =	sdelay $0x3  }
0x36: {  	p1 =	seq.s32 s10, $0x1;
	s10 =	sld [smem:$0x3FBB];
	_ =	sdelay $0x3  }
0x37: {  	[smem:$0x3FBB] =	sst s10  }
0x38: {  	s10 =	sld [smem:$0x3FBC]  }
0x39: {  	_ = 	snop;
	(pc) =	sbr.ind lr, $3  }
0x3a: {  	_ = 	snop  }
0x3b: {  	_ = 	snop  }
0x3c: {  	p2 =	seq.s32 s10, $0x1;
	s10 =	sld [smem:$0x3FBB]  }
0x3d: {  	_ =	shalt  }
0x3e: {  	_ =	shalt  }
0x3f: {  	_ =	shalt  }
0x40: {  	_ =	shalt  }
0x41: {  	_ =	shalt  }
0x42: {  	_ =	shalt  }
0x43: {  	_ =	shalt  }
0x44: {  	_ =	shalt  }
0x45: {  	_ =	shalt  }
0x46: {  	_ =	shalt  }
0x47: {  	_ =	shalt  }
0x48: {  	_ =	shalt  }
0x49: {  	_ =	shalt  }
0x4a: {  	_ =	shalt  }
0x4b: {  	_ =	shalt  }
0x4c: {  	_ =	shalt  }
0x4d: {  	_ =	shalt  }
0x4e: {  	_ =	shalt  }
0x4f: {  	_ =	shalt  }
0x50: {  	_ =	shalt  }
0x51: {  	_ =	shalt  }
0x52: {  	_ =	shalt  }
0x53: {  	_ =	shalt  }
0x54: {  	_ =	shalt  }
0x55: {  	_ =	shalt  }
0x56: {  	_ =	shalt  }
0x57: {  	_ =	shalt  }
0x58: {  	_ =	shalt  }
0x59: {  	_ =	shalt  }
0x5a: {  	_ =	shalt  }
0x5b: {  	_ =	shalt  }
0x5c: {  	_ =	shalt  }
0x5d: {  	_ =	shalt  }
0x5e: {  	_ =	shalt  }
0x5f: {  	_ =	shalt  }
0x60: {  	_ =	shalt  }
0x61: {  	_ =	shalt  }
0x62: {  	_ =	shalt  }
0x63: {  	_ =	shalt  }
0x64: {  	_ =	shalt  }
0x65: {  	_ =	shalt  }
0x66: {  	_ =	shalt  }
0x67: {  	_ =	shalt  }
0x68: {  	_ =	shalt  }
0x69: {  	_ =	shalt  }
0x6a: {  	_ =	shalt  }
0x6b: {  	_ =	shalt  }
0x6c: {  	_ =	shalt  }
0x6d: {  	_ =	shalt  }
0x6e: {  	_ =	shalt  }
0x6f: {  	_ =	shalt  }
0x70: {  	_ =	shalt  }
0x71: {  	_ =	shalt  }
0x72: {  	_ =	shalt  }
0x73: {  	_ =	shalt  }
0x74: {  	_ =	shalt  }
0x75: {  	_ =	shalt  }
0x76: {  	_ =	shalt  }
0x77: {  	_ =	shalt  }
0x78: {  	_ =	shalt  }
0x79: {  	_ =	shalt  }
0x7a: {  	_ =	shalt  }
0x7b: {  	_ =	shalt  }
0x7c: {  	_ =	shalt  }
0x7d: {  	_ =	shalt  }
0x7e: {  	_ =	shalt  }
0x7f: {  	_ =	shalt  }
0x80: {  	_ =	shalt  }
0x81: {  	_ =	shalt  }
0x82: {  	_ =	shalt  }
0x83: {  	_ =	shalt  }
0x84: {  	_ =	shalt  }
0x85: {  	_ =	shalt  }
0x86: {  	_ =	shalt  }
0x87: {  	_ =	shalt  }
.Lfunc_end0:
.L_simem_size_0:
called_computation_lowered:
.L_overlay_start_0:
0x88: {  	s2 =	sld [smem:$0x3FD9]  }
0x89: {  	s3 =	sld [smem:$0x3FFE];
	_ =	sdelay $0x1  }
0x8a: {  	s1 =	srdreg.scid  }
0x8b: {  	s0 =	sand.u32 $0x1, s1  }
0x8c: {  	s18 =	sshll.u32 s0, $0xA;
	s2 =	sadd.s32 s3, s2  }
0x8d: {  	s2 =	sadd.s32 s2, s18  }
0x8e: {  	[smem:$0x3FC7] =	sst s2  }
0x8f: {  	_ = 	snop  }
0x90: {  	s2 =	sld [smem:$0x3FC9];
	(tm) =	ssettm $0x1  }
0x91: {  	s19 =	sld [smem:$0x3FFB];
	_ =	sdelay $0x3  }
0x92: {  	_ =	strace s19  }
0x93: {  	s3 =	sld [smem:$0x3FFC];
	_ =	sdelay $0x3  }
0x94: {  	_ =	strace s3  }
0x95: {  	s3 =	sld [smem:$0x3FFD];
	_ =	sdelay $0x3  }
0x96: {  	_ =	strace s3  }
0x97: {  	_ =	strace $0x8FFFFFFF  }
0x98: {  	s20 =	sld [smem:$0x3FDB];
	_ =	sdelay $0x1  }
0x99: {  	s4 =	simm.s32 $_scs_section_size  }
0x9a: {  	s5 =	simm.s32 $_size__tile_overlayer_lowered;
	s6 =	simm.s32 $_tile_overlayer_lowered  }
0x9b: {  	s23 =	simm.s32 $0x1BFF;
	s22 =	sshll.u32 s6, $0x1;
	s3 =	sadd.s32 s4, s20  }
0x9c: {  	s7 =	simm.s32 $0x0;
	s21 =	sshll.u32 s5, $0x1;
	s5 =	sadd.s32 s22, s3  }
0x9d: {  	[timem:s7], [sflag:s23] =	dma.local [hbm:s5], s21  }
0x9e: {  	_ =	swait.ge [sflag:s23], s21  }
0x9f: {  	s4 =	ssub.s32 $0x0, s21;
	[sflag:s23] =	ssyncset.done $0x0  }
0xa0: {  	[sflag:s23] =	ssyncadd.s32 s4;
	_ =	sdelay $0x1  }
0xa1: {  	s24 =	simm.s32 $0x1B8B  }
0xa2: {  	_ =	swait.ge [sflag:s24], $0x1  }
0xa3: {  	[sflag:s24] =	ssyncset.done $0x0  }
0xa4: {  	s25 =	simm.s32 $0x1B8E;
	[sflag:s24] =	ssyncadd.s32 $0xFFFFFFFF  }
0xa5: {  	s26 =	simm.s32 $execute0_lowered;
	[smem:$0x3FD2] =	sst s25  }
0xa6: {  	s4 =	sshll.u32 s26, $0x1;
	_ =	strace $0x80000046;
	[dreg:$0x1] =	wrdreg $0xFFFFFFFF  }
0xa7: {  	s28 =	simm.s32 $_size_execute0_lowered;
	s3 =	sadd.s32 s3, s4;
	[dreg:$0x0] =	wrdreg $0x0  }
0xa8: {  	s4 =	sshll.u32 s28, $0x1;
	[dreg:$0x2] =	wrdreg s3  }
0xa9: {  	[dreg:$0x3] =	wrdreg s4  }
0xaa: {  	[dreg:$0x4] =	wrdreg $0xC0  }
0xab: {  	_ =	task [dreg:s7], $0x5FFFF  }
0xac: {  	[dreg:$0x1] =	wrdreg $0xFFFFFFFF  }
0xad: {  	[dreg:$0x0] =	wrdreg $0x60  }
0xae: {  	[dreg:$0x2] =	wrdreg s2  }
0xaf: {  	[dreg:$0x3] =	wrdreg $0x108000  }
0xb0: {  	[dreg:$0x4] =	wrdreg $0x9  }
0xb1: {  	_ =	task.clear_ibuf [dreg:s7], $0x5FFFF;
	_ =	strace $0x90000046  }
0xb2: {  	s29 =	simm.s32 $0x9;
	_ =	strace $0x80000048  }
0xb3: {  	_ =	swait.ge [sflag:s29], $0x1  }
0xb4: {  	[sflag:s29] =	ssyncadd.s32 $0xFFFFFFFF  }
0xb5: {  	_ =	strace $0x90000048  }
0xb6: {  	_ =	sfence  }
0xb7: {  	s30 =	sld [smem:$0x0];
	_ =	sdelay $0x2  }
0xb8: {  	s31 =	sshll.u32 s1, $0xD;
	s1 =	sshrl.u32 s1, $0x2  }
0xb9: {  	s3 =	sand.u32 $0x4000, s31;
	s1 =	sadd.s32 s1, s30  }
0xba: {  	s0 =	sor.u32 s3, s0;
	s1 =	sshll.u32 s1, $0x11  }
0xbb: {  	s0 =	sor.u32 s1, s0  }
0xbc: {  	s0 =	sadd.s32 $0x8F2B, s0  }
0xbd: {  	[sflag:s0] =	ssyncadd.remote.s32 $0x1  }
0xbe: {  	_ =	sfence.sel $0xFFFF  }
0xbf: {  	[dreg:$0x0] =	wrdreg $0xFFFFFFFF;
	(pc) =	sbr.abs _section_cstart, $3  }
0xc0: {  	[dreg:$0x1] =	wrdreg $0xFFFFFFFF  }
0xc1: {  	_ =	task.clear_ibuf [dreg:s7], $0x2FFFF;
	_ =	strace $0x9FFFFFFF  }
0xc2: {  	(tm) =	ssettm $0x7FFFFFFF  }
0xc3: {  	_ =	shalt  }
tec
execute0_lowered:
.L_overlay_start_1:
0x0: {  	(tag) =	ssettag $0x1  }
0x1: {  	s11 =	rddreg [dreg:$0x0]  }
0x2: {  	s2 =	rddreg [dreg:$0x1];
	s1 =	simm.s32 $0x0  }
0x3: {  	[smem:$0x7FF] =	sst s1  }
0x4: {  	s0 =	rddreg [dreg:$0x2];
	v2 =	vimm.s32 $0x0;
	_ =	strace $0x80000047  }
0x5: {  	(xrf1) =	vunique.msk.u32 $0xffff, v2;
	_ =	sdelay $0xd  }
0x6: {  	_, v0, _ =	vpop (xrf1)  }
0x7: {  	v0 =	vxor.u32 $0x80000000, v0  }
0x8: {  	(xrf0) =	vmin.scan.msk.u32 $0xffff, v0;
	_ =	sdelay $0x5  }
0x9: {  	v0, _, _ =	vpop (xrf0)  }
0xa: {  	(v2sf) =	vpush v0, $0xF;
	_ =	sdelay $0x7  }
0xb: {  	s31 =	srdreg.scid  }
0xc: {  	s1 =	sand.u32 $0x1, s31  }
0xd: {  	p0 =	seq.s32 s1, $0x1  }
.Ltmp0:
0xe: {  	_ = 	snop;
	(pc) =	sbr.rel @p0 .LBB2_12-.Ltmp0, $2  }
0xf: {  	_ =	sdelay $0x2  }
0x10: {  	s1 =	stileid.u32;
	s3 =	spop (v2sf)  }
0x11: {  	s12 =	sshll.u32 s1, $0xD;
	s13 =	sxor.u32 $0x80000000, s3;
	s20 =	simm.s32 $0x0  }
0x12: {  	s4 =	sadd.s32 s12, s11;
	s19 =	ssub.s32 $0x1, s13;
	s14 =	sshrl.u32 s12, $0x2  }
0x13: {  	s16 =	sadd.s32 s11, s12;
	s12 =	simm.s32 $0x40;
	s10 =	sadd.s32 $0x1000, s4  }
0x14: {  	s9 =	sadd.s32 $0x1010, s4;
	s8 =	sadd.s32 $0x1020, s4;
	s7 =	sadd.s32 $0x1030, s4  }
0x15: {  	s6 =	sadd.s32 $0x1800, s4;
	s5 =	sadd.s32 $0x1810, s4;
	s3 =	sadd.s32 $0x1820, s4  }
0x16: {  	v0 =	vmov s13;
	s4 =	sadd.s32 $0x1830, s4;
	s2 =	sadd.s32 s14, s2;
	s11 =	sadd.s32 $0x830, s16  }
0x17: {  	s13 =	sadd.s32 $0x820, s16;
	s14 =	sadd.s32 $0x810, s16;
	v0 =	vsub.s32 $0x0, v0;
	s15 =	sadd.s32 $0x800, s16  }
0x18: {  	s17 =	sadd.s32 $0x30, s16;
	s18 =	sadd.s32 $0x20, s16;
	v1 =	vbroadcast v0, $0x0;
	v0 =	vmov s19;
	s19 =	sadd.s32 $0x10, s16  }
.LBB2_2:
0x19: {  	p0 =	sne.s32 s12, $0x1FC0;
	[tilespmem:s20+$0x10000] =	vst v2;
	s20 =	smov.u32 s12;
	s12 =	sadd.s32 $0x40, s12  }
.Ltmp1:
0x1a: {  	(pc) =	sbr.rel @p0 .LBB2_2-.Ltmp1, $2  }
0x1b: {  	_ =	sdelay $0x2  }
0x1c: {  	s20 =	sshra.s32 s20, $0x2  }
0x1d: {  	[tilespmem:s20+$0x10000] =	vst v2;
	s29 =	simm.s32 $0x80;
	s21 =	simm.s32 $0x200;
	s12 =	simm.s32 $0x8000  }
0x1e: {  	[tilespmem:s12], [sflag:$0x1] =	stream.strided.gather [hbm4b:s16+s29], $0x1000, s21, s29, $0x38;
	[tilespmem:$0x11000] =	vst v63  }
0x1f: {  	s30 =	simm.s32 $0x9000  }
0x20: {  	[tilespmem:s30], [sflag:$0x1] =	stream.strided.gather [hbm4b:s19+s29], $0x1000, s21, s29, $0x38;
	[tilespmem:$0x11000] =	vst v63  }
0x21: {  	s31 =	simm.s32 $0xA000  }
0x22: {  	[tilespmem:s31], [sflag:$0x1] =	stream.strided.gather [hbm4b:s18+s29], $0x1000, s21, s29, $0x38;
	[tilespmem:$0x11000] =	vst v63  }
0x23: {  	s19 =	simm.s32 $0xB000  }
0x24: {  	[tilespmem:s19], [sflag:$0x1] =	stream.strided.gather [hbm4b:s17+s29], $0x1000, s21, s29, $0x38;
	[tilespmem:$0x11000] =	vst v63  }
0x25: {  	s22 =	simm.s32 $0xC000  }
0x26: {  	[tilespmem:s22], [sflag:$0x1] =	stream.strided.gather [hbm4b:s15+s29], $0x1000, s21, s29, $0x38;
	[tilespmem:$0x11000] =	vst v63  }
0x27: {  	s23 =	simm.s32 $0xD000  }
0x28: {  	[tilespmem:s23], [sflag:$0x1] =	stream.strided.gather [hbm4b:s14+s29], $0x1000, s21, s29, $0x38;
	[tilespmem:$0x11000] =	vst v63  }
0x29: {  	s24 =	simm.s32 $0xE000  }
0x2a: {  	[tilespmem:s24], [sflag:$0x1] =	stream.strided.gather [hbm4b:s13+s29], $0x1000, s21, s29, $0x38;
	[tilespmem:$0x11000] =	vst v63  }
0x2b: {  	s25 =	simm.s32 $0xF000;
	s26 =	simm.s32 $0x1  }
0x2c: {  	[tilespmem:s25], [sflag:$0x1] =	stream.strided.gather [hbm4b:s11+s29], $0x1000, s21, s29, $0x38;
	[tilespmem:$0x11000] =	vst v63  }
0x2d: {  	_ =	swait.ge [sflag:s26], $0x1000  }
0x2e: {  	[sflag:s26] =	ssyncset.done $0x0  }
0x2f: {  	[sflag:s26] =	ssyncadd.s32 $0xFFFFF000  }
0x30: {  	_ =	swait.ge [sflag:s26], $0x1000  }
0x31: {  	[sflag:s26] =	ssyncset.done $0x0  }
0x32: {  	[sflag:s26] =	ssyncadd.s32 $0xFFFFF000  }
0x33: {  	_ =	swait.ge [sflag:s26], $0x1000  }
0x34: {  	[sflag:s26] =	ssyncset.done $0x0  }
0x35: {  	[sflag:s26] =	ssyncadd.s32 $0xFFFFF000  }
0x36: {  	_ =	swait.ge [sflag:s26], $0x1000  }
0x37: {  	s28 =	simm.s32 $0x0;
	[sflag:s26] =	ssyncset.done $0x0  }
0x38: {  	s29 =	sand.u32 $0xFE0, s28;
	[sflag:s26] =	ssyncadd.s32 $0xFFFFF000  }
0x39: {  	v2 =	vld [tilespmem:s29+$0xA000]  }
0x3a: {  	v3 =	vld [tilespmem:s29+$0xB000]  }
0x3b: {  	v4 =	vld [tilespmem:s12+$0x0];
	_ =	sdelay $0x1  }
0x3c: {  	v5 =	vld [tilespmem:s29+$0x9000]  }
0x3d: {  	v6 =	vmul.u32 $0xAAB, v2;
	_ =	sdelay $0x1  }
0x3e: {  	v7 =	vmul.u32 $0xAAB, v3;
	v4 =	vmul.u32 $0xA200, v4;
	v6 =	vshra.s32 v6, $0xF  }
0x3f: {  	v8 =	vmul.u32 $0xFFFFFFF4, v6  }
0x40: {  	v7 =	vshra.s32 v7, $0xF;
	v4 =	vadd.s32 v4, v5;
	v6 =	vmul.u32 $0x3600, v6  }
0x41: {  	v9 =	vmul.u32 $0x7FFFFF4, v7;
	v7 =	vmul.u32 $0x1200, v7;
	v2 =	vadd.s32 v2, v8  }
0x42: {  	v4 =	vadd.s32 v6, v4;
	v2 =	vmul.u32 $0x180, v2  }
0x43: {  	v3 =	vadd.s32 v3, v9;
	v4 =	vadd.s32 v7, v4  }
0x44: {  	v3 =	vshll.u32 v3, $0x5;
	v2 =	vadd.s32 v2, v4  }
0x45: {  	v2 =	vadd.s32 v3, v2  }
0x46: {  	v3 =	vand.u32 $0x7FF, v2  }
0x47: {  	(xrf1) =	vunique.msk.u32 $0xffff, v3;
	_ =	sdelay $0x9  }
0x48: {  	s30 =	simm.s32 $0x10  }
0x49: {  	s11 =	simm.s32 $0x10000;
	[tilespmem:s30+$0xFFFFFFF0] =	vst v2  }
0x4a: {  	v2 =	vld.idx.msk [tilespmem:v3+s11+$0x0], $0xffff;
	_ =	sdelay $0x1  }
0x4b: {  	_, v4, vm0 =	vpop (xrf1);
	_ =	sdelay $0x2  }
0x4c: {  	v2 =	vadd.s32 v1, v2  }
0x4d: {  	s31 =	simm.s32 $0x4010;
	v2 =	vadd.s32 v4, v2  }
0x4e: {  	[tilespmem:s31+$0xFFFFFFF0] =	vst v2;
	v2 =	vadd.s32 v0, v4  }
0x4f: {  	[tilespmem:v3+s11+$0x0] =	vst.idx.add.s32.msk vm0, v2  }
0x50: {  	v2 =	vld [tilespmem:s12+$0x2010]  }
0x51: {  	v3 =	vld [tilespmem:s12+$0x3010]  }
0x52: {  	v4 =	vld [tilespmem:s12+$0x10];
	_ =	sdelay $0x1  }
0x53: {  	v5 =	vld [tilespmem:s12+$0x1010]  }
0x54: {  	v60 =	vmul.u32 $0xAAB, v2;
	_ =	sdelay $0x1  }
0x55: {  	v61 =	vmul.u32 $0xAAB, v3;
	v4 =	vmul.u32 $0xA200, v4;
	v6 =	vshra.s32 v60, $0xF  }
0x56: {  	v62 =	vmul.u32 $0xFFFFFFF4, v6  }
0x57: {  	v7 =	vshra.s32 v61, $0xF;
	v4 =	vadd.s32 v4, v5;
	v6 =	vmul.u32 $0x3600, v6  }
0x58: {  	v63 =	vmul.u32 $0x7FFFFF4, v7;
	v7 =	vmul.u32 $0x1200, v7;
	v2 =	vadd.s32 v2, v62  }
0x59: {  	v4 =	vadd.s32 v6, v4;
	v2 =	vmul.u32 $0x180, v2  }
0x5a: {  	v3 =	vadd.s32 v3, v63;
	v4 =	vadd.s32 v7, v4  }
0x5b: {  	v3 =	vshll.u32 v3, $0x5;
	v2 =	vadd.s32 v2, v4  }
0x5c: {  	v3 =	vadd.s32 v3, v2  }
0x5d: {  	v2 =	vand.u32 $0x7FF, v3  }
0x5e: {  	(xrf1) =	vunique.msk.u32 $0xffff, v2;
	_ =	sdelay $0x7  }
0x5f: {  	[tilespmem:s30+$0x0] =	vst v3  }
0x60: {  	v3 =	vld.idx.msk [tilespmem:v2+s11+$0x0], $0xffff;
	_ =	sdelay $0x4  }
0x61: {  	v4 =	vadd.s32 v1, v3;
	_, v3, vm0 =	vpop (xrf1)  }
0x62: {  	s17 =	simm.s32 $0x40;
	v4 =	vadd.s32 v3, v4  }
0x63: {  	s15 =	simm.s32 $0x20;
	s14 =	simm.s32 $0x30;
	s13 =	simm.s32 $0x4030;
	[tilespmem:s31+$0x0] =	vst v4  }
.LBB2_4:
0x64: {  	s18 =	sand.u32 $0xFE0, s15  }
0x65: {  	s12 =	sadd.s32 $0x20, s12;
	s15 =	smov.u32 s17;
	s16 =	sadd.s32 $0x20, s17  }
0x66: {  	p0 =	sne.s32 s17, $0xFE0;
	v3 =	vadd.s32 v0, v3;
	_ =	sdelay $0x1  }
0x67: {  	[tilespmem:v2+s11+$0x0] =	vst.idx.add.s32.msk vm0, v3  }
0x68: {  	v2 =	vld [tilespmem:s18+$0xA000]  }
0x69: {  	v3 =	vld [tilespmem:s18+$0xB000]  }
0x6a: {  	v4 =	vld [tilespmem:s12+$0x0];
	_ =	sdelay $0x1  }
0x6b: {  	v5 =	vld [tilespmem:s18+$0x9000]  }
0x6c: {  	v6 =	vmul.u32 $0xAAB, v2  }
0x6d: {  	v7 =	vmul.u32 $0xAAB, v3  }
0x6e: {  	v6 =	vshra.s32 v6, $0xF;
	v4 =	vmul.u32 $0xA200, v4  }
0x6f: {  	v8 =	vmul.u32 $0xFFFFFFF4, v6;
	v7 =	vshra.s32 v7, $0xF;
	v6 =	vmul.u32 $0x3600, v6  }
0x70: {  	v9 =	vmul.u32 $0x7FFFFF4, v7;
	v7 =	vmul.u32 $0x1200, v7;
	v4 =	vadd.s32 v4, v5  }
0x71: {  	v2 =	vadd.s32 v2, v8;
	v4 =	vadd.s32 v6, v4  }
0x72: {  	v3 =	vadd.s32 v3, v9;
	v2 =	vmul.u32 $0x180, v2;
	v4 =	vadd.s32 v7, v4  }
0x73: {  	v3 =	vshll.u32 v3, $0x5  }
0x74: {  	v2 =	vadd.s32 v2, v4  }
0x75: {  	v2 =	vadd.s32 v3, v2  }
0x76: {  	v3 =	vand.u32 $0x7FF, v2  }
0x77: {  	(xrf1) =	vunique.msk.u32 $0xffff, v3;
	_ =	sdelay $0x6  }
0x78: {  	[tilespmem:s14+$0xFFFFFFF0] =	vst v2  }
0x79: {  	v2 =	vld.idx.msk [tilespmem:v3+s11+$0x0], $0xffff;
	_ =	sdelay $0x5  }
0x7a: {  	v2 =	vadd.s32 v1, v2;
	_, v4, vm0 =	vpop (xrf1)  }
0x7b: {  	v2 =	vadd.s32 v4, v2;
	_ =	sdelay $0x2  }
0x7c: {  	[tilespmem:s13+$0xFFFFFFF0] =	vst v2;
	v2 =	vadd.s32 v0, v4;
	_ =	sdelay $0x1  }
0x7d: {  	[tilespmem:v3+s11+$0x0] =	vst.idx.add.s32.msk vm0, v2  }
0x7e: {  	v2 =	vld [tilespmem:s12+$0x2010]  }
0x7f: {  	v3 =	vld [tilespmem:s12+$0x3010]  }
0x80: {  	v4 =	vld [tilespmem:s12+$0x10];
	_ =	sdelay $0x1  }
0x81: {  	v5 =	vld [tilespmem:s12+$0x1010]  }
0x82: {  	v6 =	vmul.u32 $0xAAB, v2  }
0x83: {  	v7 =	vmul.u32 $0xAAB, v3  }
0x84: {  	v6 =	vshra.s32 v6, $0xF;
	v4 =	vmul.u32 $0xA200, v4  }
0x85: {  	v8 =	vmul.u32 $0xFFFFFFF4, v6;
	v7 =	vshra.s32 v7, $0xF;
	v6 =	vmul.u32 $0x3600, v6  }
0x86: {  	v9 =	vmul.u32 $0x7FFFFF4, v7;
	v7 =	vmul.u32 $0x1200, v7;
	v4 =	vadd.s32 v4, v5  }
0x87: {  	v2 =	vadd.s32 v2, v8;
	v4 =	vadd.s32 v6, v4  }
0x88: {  	v3 =	vadd.s32 v3, v9;
	v2 =	vmul.u32 $0x180, v2;
	v4 =	vadd.s32 v7, v4  }
0x89: {  	v3 =	vshll.u32 v3, $0x5  }
0x8a: {  	v2 =	vadd.s32 v2, v4  }
0x8b: {  	v2 =	vadd.s32 v3, v2  }
0x8c: {  	[tilespmem:s14+$0x0] =	vst v2;
	v2 =	vand.u32 $0x7FF, v2  }
0x8d: {  	(xrf1) =	vunique.msk.u32 $0xffff, v2;
	_ =	sdelay $0x3  }
0x8e: {  	v3 =	vld.idx.msk [tilespmem:v2+s11+$0x0], $0xffff;
	_ =	sdelay $0x7  }
.Ltmp2:
0x8f: {  	(pc) =	sbr.rel @p0 .LBB2_4-.Ltmp2, $4  }
0x90: {  	_ = 	snop  }
0x91: {  	v4 =	vadd.s32 v1, v3;
	_, v3, vm0 =	vpop (xrf1)  }
0x92: {  	v4 =	vadd.s32 v3, v4  }
0x93: {  	s17 =	smov.u32 s16;
	s14 =	sadd.s32 $0x20, s14;
	[tilespmem:s13+$0x0] =	vst v4;
	s13 =	sadd.s32 $0x20, s13  }
0x94: {  	_ =	sdelay $0x3  }
0x95: {  	v3 =	vadd.s32 v0, v3  }
0x96: {  	s15 =	sand.u32 $0xFE0, s15;
	[tilespmem:v2+s11+$0x0] =	vst.idx.add.s32.msk vm0, v3  }
0x97: {  	v2 =	vld [tilespmem:s15+$0xA000]  }
0x98: {  	s12 =	sadd.s32 $0x20, s12;
	v3 =	vld [tilespmem:s15+$0xB000]  }
0x99: {  	v4 =	vld [tilespmem:s12+$0x0];
	_ =	sdelay $0x1  }
0x9a: {  	v5 =	vld [tilespmem:s15+$0x9000]  }
0x9b: {  	v6 =	vmul.u32 $0xAAB, v2;
	_ =	sdelay $0x1  }
0x9c: {  	v7 =	vmul.u32 $0xAAB, v3;
	v4 =	vmul.u32 $0xA200, v4;
	v6 =	vshra.s32 v6, $0xF  }
0x9d: {  	v8 =	vmul.u32 $0xFFFFFFF4, v6  }
0x9e: {  	v7 =	vshra.s32 v7, $0xF;
	v4 =	vadd.s32 v4, v5;
	v6 =	vmul.u32 $0x3600, v6  }
0x9f: {  	v9 =	vmul.u32 $0x7FFFFF4, v7;
	v7 =	vmul.u32 $0x1200, v7;
	v2 =	vadd.s32 v2, v8  }
0xa0: {  	v4 =	vadd.s32 v6, v4;
	v2 =	vmul.u32 $0x180, v2  }
0xa1: {  	v3 =	vadd.s32 v3, v9;
	v4 =	vadd.s32 v7, v4  }
0xa2: {  	v3 =	vshll.u32 v3, $0x5;
	v2 =	vadd.s32 v2, v4  }
0xa3: {  	v2 =	vadd.s32 v3, v2  }
0xa4: {  	v3 =	vand.u32 $0x7FF, v2  }
0xa5: {  	(xrf1) =	vunique.msk.u32 $0xffff, v3;
	_ =	sdelay $0xa  }
0xa6: {  	[tilespmem:s14+$0xFFFFFFF0] =	vst v2  }
0xa7: {  	v2 =	vld.idx.msk [tilespmem:v3+s11+$0x0], $0xffff;
	_ =	sdelay $0x1  }
0xa8: {  	_, v4, vm0 =	vpop (xrf1);
	_ =	sdelay $0x2  }
0xa9: {  	v2 =	vadd.s32 v1, v2  }
0xaa: {  	v2 =	vadd.s32 v4, v2  }
0xab: {  	[tilespmem:s13+$0xFFFFFFF0] =	vst v2;
	v2 =	vadd.s32 v0, v4  }
0xac: {  	[tilespmem:v3+s11+$0x0] =	vst.idx.add.s32.msk vm0, v2  }
0xad: {  	v2 =	vld [tilespmem:s12+$0x2010]  }
0xae: {  	v3 =	vld [tilespmem:s12+$0x3010]  }
0xaf: {  	v4 =	vld [tilespmem:s12+$0x10];
	_ =	sdelay $0x1  }
0xb0: {  	v5 =	vld [tilespmem:s12+$0x1010]  }
0xb1: {  	v52 =	vmul.u32 $0xAAB, v2;
	_ =	sdelay $0x1  }
0xb2: {  	v53 =	vmul.u32 $0xAAB, v3;
	v4 =	vmul.u32 $0xA200, v4;
	v6 =	vshra.s32 v52, $0xF  }
0xb3: {  	v54 =	vmul.u32 $0xFFFFFFF4, v6  }
0xb4: {  	v7 =	vshra.s32 v53, $0xF;
	v4 =	vadd.s32 v4, v5;
	v6 =	vmul.u32 $0x3600, v6  }
0xb5: {  	v55 =	vmul.u32 $0x7FFFFF4, v7;
	v7 =	vmul.u32 $0x1200, v7;
	v2 =	vadd.s32 v2, v54  }
0xb6: {  	v4 =	vadd.s32 v6, v4;
	v2 =	vmul.u32 $0x180, v2  }
0xb7: {  	v3 =	vadd.s32 v3, v55;
	v4 =	vadd.s32 v7, v4  }
0xb8: {  	v3 =	vshll.u32 v3, $0x5;
	v2 =	vadd.s32 v2, v4  }
0xb9: {  	v2 =	vadd.s32 v3, v2  }
0xba: {  	v3 =	vand.u32 $0x7FF, v2  }
0xbb: {  	(xrf1) =	vunique.msk.u32 $0xffff, v3;
	_ =	sdelay $0xa  }
0xbc: {  	[tilespmem:s14+$0x0] =	vst v2  }
0xbd: {  	v2 =	vld.idx.msk [tilespmem:v3+s11+$0x0], $0xffff;
	_ =	sdelay $0x1  }
0xbe: {  	_, v4, vm0 =	vpop (xrf1);
	_ =	sdelay $0x2  }
0xbf: {  	v2 =	vadd.s32 v1, v2  }
0xc0: {  	v2 =	vadd.s32 v4, v2  }
0xc1: {  	[tilespmem:s13+$0x0] =	vst v2;
	v2 =	vadd.s32 v0, v4  }
0xc2: {  	s22 =	simm.s32 $0x80;
	s23 =	simm.s32 $0x200;
	s24 =	simm.s32 $0x8000;
	[tilespmem:v3+s11+$0x0] =	vst.idx.add.s32.msk vm0, v2  }
0xc3: {  	[tilespmem:s24], [sflag:$0x1] =	stream.strided.gather [hbm4b:s10+s22], $0x1000, s23, s22, $0x38;
	[tilespmem:$0x11000] =	vst v63  }
0xc4: {  	s25 =	simm.s32 $0x9000  }
0xc5: {  	[tilespmem:s25], [sflag:$0x1] =	stream.strided.gather [hbm4b:s9+s22], $0x1000, s23, s22, $0x38;
	[tilespmem:$0x11000] =	vst v63  }
0xc6: {  	s26 =	simm.s32 $0xA000  }
0xc7: {  	[tilespmem:s26], [sflag:$0x1] =	stream.strided.gather [hbm4b:s8+s22], $0x1000, s23, s22, $0x38;
	[tilespmem:$0x11000] =	vst v63  }
0xc8: {  	s28 =	simm.s32 $0xB000;
	s29 =	simm.s32 $0x1  }
0xc9: {  	[tilespmem:s28], [sflag:$0x1] =	stream.strided.gather [hbm4b:s7+s22], $0x1000, s23, s22, $0x38;
	[tilespmem:$0x11000] =	vst v63  }
0xca: {  	_ =	swait.ge [sflag:s29], $0x1000  }
0xcb: {  	[sflag:s29] =	ssyncset.done $0x0  }
0xcc: {  	[sflag:s29] =	ssyncadd.s32 $0xFFFFF000  }
0xcd: {  	_ =	swait.ge [sflag:s29], $0x1000  }
0xce: {  	[sflag:s29] =	ssyncset.done $0x0  }
0xcf: {  	[sflag:s29] =	ssyncadd.s32 $0xFFFFF000  }
0xd0: {  	_ =	swait.ge [sflag:s29], $0x1000  }
0xd1: {  	[sflag:s29] =	ssyncset.done $0x0  }
0xd2: {  	[sflag:s29] =	ssyncadd.s32 $0xFFFFF000  }
0xd3: {  	_ =	swait.ge [sflag:s29], $0x1000  }
0xd4: {  	s30 =	simm.s32 $0x0;
	[sflag:s29] =	ssyncset.done $0x0  }
0xd5: {  	s8 =	sand.u32 $0xFE0, s30;
	[sflag:s29] =	ssyncadd.s32 $0xFFFFF000  }
0xd6: {  	v2 =	vld [tilespmem:s8+$0xE000]  }
0xd7: {  	v3 =	vld [tilespmem:s8+$0xF000]  }
0xd8: {  	v4 =	vld [tilespmem:s8+$0xC000];
	_ =	sdelay $0x1  }
0xd9: {  	v5 =	vld [tilespmem:s8+$0xD000]  }
0xda: {  	v56 =	vmul.u32 $0xAAB, v2;
	_ =	sdelay $0x1  }
0xdb: {  	v57 =	vmul.u32 $0xAAB, v3;
	v4 =	vmul.u32 $0xA200, v4;
	v6 =	vshra.s32 v56, $0xF  }
0xdc: {  	v58 =	vmul.u32 $0xFFFFFFF4, v6  }
0xdd: {  	v7 =	vshra.s32 v57, $0xF;
	v4 =	vadd.s32 v4, v5;
	v6 =	vmul.u32 $0x3600, v6  }
0xde: {  	v59 =	vmul.u32 $0x7FFFFF4, v7;
	v7 =	vmul.u32 $0x1200, v7;
	v2 =	vadd.s32 v2, v58  }
0xdf: {  	v4 =	vadd.s32 v6, v4;
	v2 =	vmul.u32 $0x180, v2  }
0xe0: {  	v3 =	vadd.s32 v3, v59;
	v4 =	vadd.s32 v7, v4  }
0xe1: {  	v3 =	vshll.u32 v3, $0x5;
	v2 =	vadd.s32 v2, v4  }
0xe2: {  	v2 =	vadd.s32 v3, v2  }
0xe3: {  	v3 =	vand.u32 $0x7FF, v2  }
0xe4: {  	(xrf1) =	vunique.msk.u32 $0xffff, v3;
	_ =	sdelay $0xa  }
0xe5: {  	s7 =	simm.s32 $0x10000;
	[tilespmem:s8+$0x1000] =	vst v2  }
0xe6: {  	v2 =	vld.idx.msk [tilespmem:v3+s7+$0x0], $0xffff;
	_ =	sdelay $0x1  }
0xe7: {  	_, v4, vm0 =	vpop (xrf1);
	_ =	sdelay $0x2  }
0xe8: {  	v2 =	vadd.s32 v1, v2  }
0xe9: {  	v2 =	vadd.s32 v4, v2  }
0xea: {  	[tilespmem:s8+$0x5000] =	vst v2;
	v2 =	vadd.s32 v0, v4  }
0xeb: {  	s31 =	simm.s32 $0x0;
	[tilespmem:v3+s7+$0x0] =	vst.idx.add.s32.msk vm0, v2  }
0xec: {  	v2 =	vld [tilespmem:s31+$0xE010]  }
0xed: {  	v3 =	vld [tilespmem:s31+$0xF010]  }
0xee: {  	v4 =	vld [tilespmem:s31+$0xC010];
	_ =	sdelay $0x1  }
0xef: {  	v5 =	vld [tilespmem:s31+$0xD010]  }
0xf0: {  	v60 =	vmul.u32 $0xAAB, v2;
	_ =	sdelay $0x1  }
0xf1: {  	v61 =	vmul.u32 $0xAAB, v3;
	v4 =	vmul.u32 $0xA200, v4;
	v6 =	vshra.s32 v60, $0xF  }
0xf2: {  	v62 =	vmul.u32 $0xFFFFFFF4, v6  }
0xf3: {  	v7 =	vshra.s32 v61, $0xF;
	v4 =	vadd.s32 v4, v5;
	v6 =	vmul.u32 $0x3600, v6  }
0xf4: {  	v63 =	vmul.u32 $0x7FFFFF4, v7;
	v7 =	vmul.u32 $0x1200, v7;
	v2 =	vadd.s32 v2, v62  }
0xf5: {  	v4 =	vadd.s32 v6, v4;
	v2 =	vmul.u32 $0x180, v2  }
0xf6: {  	v3 =	vadd.s32 v3, v63;
	v4 =	vadd.s32 v7, v4  }
0xf7: {  	v3 =	vshll.u32 v3, $0x5;
	v2 =	vadd.s32 v2, v4  }
0xf8: {  	v3 =	vadd.s32 v3, v2  }
0xf9: {  	v2 =	vand.u32 $0x7FF, v3  }
0xfa: {  	(xrf1) =	vunique.msk.u32 $0xffff, v2;
	_ =	sdelay $0x7  }
0xfb: {  	[tilespmem:s31+$0x1010] =	vst v3  }
0xfc: {  	v3 =	vld.idx.msk [tilespmem:v2+s7+$0x0], $0xffff;
	_ =	sdelay $0x4  }
0xfd: {  	v4 =	vadd.s32 v1, v3;
	_, v3, vm0 =	vpop (xrf1)  }
0xfe: {  	v4 =	vadd.s32 v3, v4  }
0xff: {  	s10 =	simm.s32 $0x100;
	s9 =	simm.s32 $0x20;
	s8 =	simm.s32 $0x80;
	[tilespmem:s31+$0x5010] =	vst v4  }
.LBB2_6:
0x100: {  	p0 =	sne.s32 s10, $0x3F80  }
0x101: {  	s12 =	sand.u32 $0xFE0, s9;
	s11 =	smov.u32 s10;
	s10 =	sadd.s32 $0x80, s10  }
0x102: {  	v3 =	vadd.s32 v0, v3;
	_ =	sdelay $0x1  }
0x103: {  	[tilespmem:v2+s7+$0x0] =	vst.idx.add.s32.msk vm0, v3  }
0x104: {  	v2 =	vld [tilespmem:s12+$0xE000]  }
0x105: {  	v3 =	vld [tilespmem:s12+$0xF000]  }
0x106: {  	v4 =	vld [tilespmem:s12+$0xC000];
	_ =	sdelay $0x1  }
0x107: {  	v5 =	vld [tilespmem:s12+$0xD000]  }
0x108: {  	v6 =	vmul.u32 $0xAAB, v2  }
0x109: {  	v7 =	vmul.u32 $0xAAB, v3  }
0x10a: {  	v6 =	vshra.s32 v6, $0xF;
	v4 =	vmul.u32 $0xA200, v4  }
0x10b: {  	v8 =	vmul.u32 $0xFFFFFFF4, v6;
	v7 =	vshra.s32 v7, $0xF;
	v6 =	vmul.u32 $0x3600, v6  }
0x10c: {  	v9 =	vmul.u32 $0x7FFFFF4, v7;
	v7 =	vmul.u32 $0x1200, v7;
	v4 =	vadd.s32 v4, v5  }
0x10d: {  	v2 =	vadd.s32 v2, v8;
	v4 =	vadd.s32 v6, v4  }
0x10e: {  	v3 =	vadd.s32 v3, v9;
	v2 =	vmul.u32 $0x180, v2;
	v4 =	vadd.s32 v7, v4  }
0x10f: {  	v3 =	vshll.u32 v3, $0x5  }
0x110: {  	v2 =	vadd.s32 v2, v4  }
0x111: {  	v2 =	vadd.s32 v3, v2  }
0x112: {  	v3 =	vand.u32 $0x7FF, v2  }
0x113: {  	(xrf1) =	vunique.msk.u32 $0xffff, v3;
	_ =	sdelay $0x6  }
0x114: {  	[tilespmem:s12+$0x1000] =	vst v2  }
0x115: {  	v2 =	vld.idx.msk [tilespmem:v3+s7+$0x0], $0xffff;
	_ =	sdelay $0x5  }
0x116: {  	v2 =	vadd.s32 v1, v2;
	_, v4, vm0 =	vpop (xrf1)  }
0x117: {  	v2 =	vadd.s32 v4, v2;
	_ =	sdelay $0x2  }
0x118: {  	[tilespmem:s12+$0x5000] =	vst v2;
	v2 =	vadd.s32 v0, v4  }
0x119: {  	s12 =	sshra.s32 s8, $0x2;
	s8 =	smov.u32 s11  }
0x11a: {  	[tilespmem:v3+s7+$0x0] =	vst.idx.add.s32.msk vm0, v2  }
0x11b: {  	v2 =	vld [tilespmem:s12+$0xE010]  }
0x11c: {  	v3 =	vld [tilespmem:s12+$0xF010]  }
0x11d: {  	v4 =	vld [tilespmem:s12+$0xC010];
	_ =	sdelay $0x1  }
0x11e: {  	v5 =	vld [tilespmem:s12+$0xD010]  }
0x11f: {  	v6 =	vmul.u32 $0xAAB, v2  }
0x120: {  	v7 =	vmul.u32 $0xAAB, v3  }
0x121: {  	v6 =	vshra.s32 v6, $0xF;
	v4 =	vmul.u32 $0xA200, v4  }
0x122: {  	v8 =	vmul.u32 $0xFFFFFFF4, v6;
	v7 =	vshra.s32 v7, $0xF;
	v6 =	vmul.u32 $0x3600, v6  }
0x123: {  	v9 =	vmul.u32 $0x7FFFFF4, v7;
	v7 =	vmul.u32 $0x1200, v7;
	v4 =	vadd.s32 v4, v5  }
0x124: {  	v2 =	vadd.s32 v2, v8;
	v4 =	vadd.s32 v6, v4  }
0x125: {  	v3 =	vadd.s32 v3, v9;
	v2 =	vmul.u32 $0x180, v2;
	v4 =	vadd.s32 v7, v4  }
0x126: {  	v3 =	vshll.u32 v3, $0x5  }
0x127: {  	v2 =	vadd.s32 v2, v4  }
0x128: {  	v2 =	vadd.s32 v3, v2  }
0x129: {  	[tilespmem:s12+$0x1010] =	vst v2;
	v2 =	vand.u32 $0x7FF, v2  }
0x12a: {  	(xrf1) =	vunique.msk.u32 $0xffff, v2;
	_ =	sdelay $0x3  }
0x12b: {  	v3 =	vld.idx.msk [tilespmem:v2+s7+$0x0], $0xffff;
	_ =	sdelay $0x7  }
.Ltmp3:
0x12c: {  	(pc) =	sbr.rel @p0 .LBB2_6-.Ltmp3, $4  }
0x12d: {  	_ = 	snop  }
0x12e: {  	v4 =	vadd.s32 v1, v3;
	_, v3, vm0 =	vpop (xrf1)  }
0x12f: {  	v4 =	vadd.s32 v3, v4  }
0x130: {  	s9 =	sadd.s32 $0x20, s9;
	[tilespmem:s12+$0x5010] =	vst v4  }
0x131: {  	_ =	sdelay $0x3  }
0x132: {  	v3 =	vadd.s32 v0, v3  }
0x133: {  	s9 =	sand.u32 $0xFE0, s9;
	[tilespmem:v2+s7+$0x0] =	vst.idx.add.s32.msk vm0, v3  }
0x134: {  	v2 =	vld [tilespmem:s9+$0xE000]  }
0x135: {  	v3 =	vld [tilespmem:s9+$0xF000]  }
0x136: {  	v4 =	vld [tilespmem:s9+$0xC000];
	_ =	sdelay $0x1  }
0x137: {  	v5 =	vld [tilespmem:s9+$0xD000]  }
0x138: {  	v6 =	vmul.u32 $0xAAB, v2;
	_ =	sdelay $0x1  }
0x139: {  	v7 =	vmul.u32 $0xAAB, v3;
	v4 =	vmul.u32 $0xA200, v4;
	v6 =	vshra.s32 v6, $0xF  }
0x13a: {  	v8 =	vmul.u32 $0xFFFFFFF4, v6  }
0x13b: {  	v7 =	vshra.s32 v7, $0xF;
	v4 =	vadd.s32 v4, v5;
	v6 =	vmul.u32 $0x3600, v6  }
0x13c: {  	v9 =	vmul.u32 $0x7FFFFF4, v7;
	v7 =	vmul.u32 $0x1200, v7;
	v2 =	vadd.s32 v2, v8  }
0x13d: {  	v4 =	vadd.s32 v6, v4;
	v2 =	vmul.u32 $0x180, v2  }
0x13e: {  	v3 =	vadd.s32 v3, v9;
	v4 =	vadd.s32 v7, v4  }
0x13f: {  	v3 =	vshll.u32 v3, $0x5;
	v2 =	vadd.s32 v2, v4  }
0x140: {  	v2 =	vadd.s32 v3, v2  }
0x141: {  	v3 =	vand.u32 $0x7FF, v2  }
0x142: {  	(xrf1) =	vunique.msk.u32 $0xffff, v3;
	_ =	sdelay $0xa  }
0x143: {  	[tilespmem:s9+$0x1000] =	vst v2  }
0x144: {  	v2 =	vld.idx.msk [tilespmem:v3+s7+$0x0], $0xffff;
	_ =	sdelay $0x1  }
0x145: {  	_, v56, vm14 =	vpop (xrf1);
	_ =	sdelay $0x2  }
0x146: {  	v2 =	vadd.s32 v1, v2  }
0x147: {  	v2 =	vadd.s32 v56, v2  }
0x148: {  	[tilespmem:s9+$0x5000] =	vst v2;
	v2 =	vadd.s32 v0, v56  }
0x149: {  	s8 =	sshra.s32 s8, $0x2;
	[tilespmem:v3+s7+$0x0] =	vst.idx.add.s32.msk vm14, v2  }
0x14a: {  	v2 =	vld [tilespmem:s8+$0xE010]  }
0x14b: {  	v3 =	vld [tilespmem:s8+$0xF010]  }
0x14c: {  	v57 =	vld [tilespmem:s8+$0xC010];
	_ =	sdelay $0x1  }
0x14d: {  	v58 =	vld [tilespmem:s8+$0xD010]  }
0x14e: {  	v59 =	vmul.u32 $0xAAB, v2;
	_ =	sdelay $0x1  }
0x14f: {  	v60 =	vmul.u32 $0xAAB, v3;
	v4 =	vmul.u32 $0xA200, v57;
	v6 =	vshra.s32 v59, $0xF  }
0x150: {  	v61 =	vmul.u32 $0xFFFFFFF4, v6  }
0x151: {  	v7 =	vshra.s32 v60, $0xF;
	v4 =	vadd.s32 v4, v58;
	v6 =	vmul.u32 $0x3600, v6  }
0x152: {  	v62 =	vmul.u32 $0x7FFFFF4, v7;
	v7 =	vmul.u32 $0x1200, v7;
	v2 =	vadd.s32 v2, v61  }
0x153: {  	v4 =	vadd.s32 v6, v4;
	v2 =	vmul.u32 $0x180, v2  }
0x154: {  	v3 =	vadd.s32 v3, v62;
	v4 =	vadd.s32 v7, v4  }
0x155: {  	v3 =	vshll.u32 v3, $0x5;
	v2 =	vadd.s32 v2, v4  }
0x156: {  	v2 =	vadd.s32 v3, v2  }
0x157: {  	v3 =	vand.u32 $0x7FF, v2  }
0x158: {  	(xrf1) =	vunique.msk.u32 $0xffff, v3;
	_ =	sdelay $0xa  }
0x159: {  	[tilespmem:s8+$0x1010] =	vst v2  }
0x15a: {  	v2 =	vld.idx.msk [tilespmem:v3+s7+$0x0], $0xffff;
	_ =	sdelay $0x1  }
0x15b: {  	_, v63, vm15 =	vpop (xrf1);
	_ =	sdelay $0x2  }
0x15c: {  	v2 =	vadd.s32 v1, v2  }
0x15d: {  	v2 =	vadd.s32 v63, v2  }
0x15e: {  	[tilespmem:s8+$0x5010] =	vst v2;
	v2 =	vadd.s32 v0, v63  }
0x15f: {  	s24 =	simm.s32 $0x80;
	s25 =	simm.s32 $0x200;
	s26 =	simm.s32 $0xC000;
	[tilespmem:v3+s7+$0x0] =	vst.idx.add.s32.msk vm15, v2  }
0x160: {  	[tilespmem:s26], [sflag:$0x1] =	stream.strided.gather [hbm4b:s6+s24], $0x1000, s25, s24, $0x38;
	[tilespmem:$0x11000] =	vst v63  }
0x161: {  	s28 =	simm.s32 $0xD000  }
0x162: {  	[tilespmem:s28], [sflag:$0x1] =	stream.strided.gather [hbm4b:s5+s24], $0x1000, s25, s24, $0x38;
	[tilespmem:$0x11000] =	vst v63  }
0x163: {  	s29 =	simm.s32 $0xE000  }
0x164: {  	[tilespmem:s29], [sflag:$0x1] =	stream.strided.gather [hbm4b:s3+s24], $0x1000, s25, s24, $0x38;
	[tilespmem:$0x11000] =	vst v63  }
0x165: {  	s30 =	simm.s32 $0xF000;
	s31 =	simm.s32 $0x1  }
0x166: {  	[tilespmem:s30], [sflag:$0x1] =	stream.strided.gather [hbm4b:s4+s24], $0x1000, s25, s24, $0x38;
	[tilespmem:$0x11000] =	vst v63  }
0x167: {  	_ =	swait.ge [sflag:s31], $0x1000  }
0x168: {  	[sflag:s31] =	ssyncset.done $0x0  }
0x169: {  	[sflag:s31] =	ssyncadd.s32 $0xFFFFF000  }
0x16a: {  	_ =	swait.ge [sflag:s31], $0x1000  }
0x16b: {  	[sflag:s31] =	ssyncset.done $0x0  }
0x16c: {  	[sflag:s31] =	ssyncadd.s32 $0xFFFFF000  }
0x16d: {  	_ =	swait.ge [sflag:s31], $0x1000  }
0x16e: {  	[sflag:s31] =	ssyncset.done $0x0  }
0x16f: {  	[sflag:s31] =	ssyncadd.s32 $0xFFFFF000  }
0x170: {  	s7 =	simm.s32 $0x10000;
	_ =	swait.ge [sflag:s31], $0x1000  }
0x171: {  	s6 =	simm.s32 $0x2010;
	s5 =	simm.s32 $0xA000;
	[sflag:s31] =	ssyncset.done $0x0  }
0x172: {  	s3 =	simm.s32 $0x0;
	s4 =	simm.s32 $0x6010;
	[sflag:s31] =	ssyncadd.s32 $0xFFFFF000  }
.LBB2_8:
0x173: {  	v2 =	vld [tilespmem:s5+$0x0]  }
0x174: {  	s8 =	sand.u32 $0xFE0, s3;
	v4 =	vld [tilespmem:s5+$0xFFFFE000]  }
0x175: {  	v3 =	vld [tilespmem:s8+$0xB000];
	_ =	sdelay $0x1  }
0x176: {  	v6 =	vld [tilespmem:s8+$0x9000]  }
0x177: {  	v5 =	vmul.u32 $0xAAB, v2;
	_ =	sdelay $0x1  }
0x178: {  	v4 =	vmul.u32 $0xA200, v4;
	v8 =	vmul.u32 $0xAAB, v3;
	v5 =	vshra.s32 v5, $0xF  }
0x179: {  	v7 =	vmul.u32 $0xFFFFFFF4, v5  }
0x17a: {  	v4 =	vadd.s32 v4, v6;
	v55 =	vshra.s32 v8, $0xF;
	v5 =	vmul.u32 $0x3600, v5  }
0x17b: {  	v8 =	vmul.u32 $0x7FFFFF4, v55;
	v2 =	vadd.s32 v2, v7;
	v7 =	vmul.u32 $0x1200, v55  }
0x17c: {  	v4 =	vadd.s32 v5, v4;
	v2 =	vmul.u32 $0x180, v2  }
0x17d: {  	v3 =	vadd.s32 v3, v8;
	v4 =	vadd.s32 v7, v4  }
0x17e: {  	v3 =	vshll.u32 v3, $0x5;
	v2 =	vadd.s32 v2, v4  }
0x17f: {  	v2 =	vadd.s32 v3, v2  }
0x180: {  	v3 =	vand.u32 $0x7FF, v2  }
0x181: {  	(xrf1) =	vunique.msk.u32 $0xffff, v3;
	_ =	sdelay $0xa  }
0x182: {  	[tilespmem:s6+$0xFFFFFFF0] =	vst v2  }
0x183: {  	v2 =	vld.idx.msk [tilespmem:v3+s7+$0x0], $0xffff;
	_ =	sdelay $0x1  }
0x184: {  	_, v56, vm0 =	vpop (xrf1);
	_ =	sdelay $0x2  }
0x185: {  	v2 =	vadd.s32 v1, v2  }
0x186: {  	v2 =	vadd.s32 v56, v2  }
0x187: {  	[tilespmem:s8+$0x6000] =	vst v2;
	v2 =	vadd.s32 v0, v56  }
0x188: {  	[tilespmem:v3+s7+$0x0] =	vst.idx.add.s32.msk vm0, v2  }
0x189: {  	v2 =	vld [tilespmem:s5+$0x10]  }
0x18a: {  	v3 =	vld [tilespmem:s5+$0x1010]  }
0x18b: {  	v57 =	vld [tilespmem:s5+$0xFFFFE010];
	_ =	sdelay $0x1  }
0x18c: {  	v59 =	vld [tilespmem:s5+$0xFFFFF010]  }
0x18d: {  	v58 =	vmul.u32 $0xAAB, v2;
	_ =	sdelay $0x1  }
0x18e: {  	v61 =	vmul.u32 $0xAAB, v3;
	v4 =	vmul.u32 $0xA200, v57;
	v5 =	vshra.s32 v58, $0xF  }
0x18f: {  	v60 =	vmul.u32 $0xFFFFFFF4, v5  }
0x190: {  	v62 =	vshra.s32 v61, $0xF;
	v4 =	vadd.s32 v4, v59;
	v5 =	vmul.u32 $0x3600, v5  }
0x191: {  	v8 =	vmul.u32 $0x7FFFFF4, v62;
	v7 =	vmul.u32 $0x1200, v62;
	v2 =	vadd.s32 v2, v60  }
0x192: {  	v4 =	vadd.s32 v5, v4;
	v2 =	vmul.u32 $0x180, v2  }
0x193: {  	v3 =	vadd.s32 v3, v8;
	v4 =	vadd.s32 v7, v4  }
0x194: {  	v3 =	vshll.u32 v3, $0x5;
	v2 =	vadd.s32 v2, v4  }
0x195: {  	v2 =	vadd.s32 v3, v2  }
0x196: {  	v3 =	vand.u32 $0x7FF, v2  }
0x197: {  	(xrf1) =	vunique.msk.u32 $0xffff, v3;
	_ =	sdelay $0xa  }
0x198: {  	[tilespmem:s6+$0x0] =	vst v2  }
0x199: {  	v2 =	vld.idx.msk [tilespmem:v3+s7+$0x0], $0xffff;
	_ =	sdelay $0x1  }
0x19a: {  	_, v63, vm15 =	vpop (xrf1)  }
0x19b: {  	p0 =	sne.s32 s3, $0xFE0  }
.Ltmp4:
0x19c: {  	_ = 	snop;
	(pc) =	sbr.rel @p0 .LBB2_8-.Ltmp4, $4  }
0x19d: {  	v2 =	vadd.s32 v1, v2  }
0x19e: {  	v2 =	vadd.s32 v63, v2  }
0x19f: {  	s3 =	sadd.s32 $0x20, s3;
	[tilespmem:s4+$0x0] =	vst v2;
	v2 =	vadd.s32 v0, v63  }
0x1a0: {  	s5 =	sadd.s32 $0x20, s5;
	s6 =	sadd.s32 $0x20, s6;
	s4 =	sadd.s32 $0x20, s4;
	[tilespmem:v3+s7+$0x0] =	vst.idx.add.s32.msk vm15, v2  }
0x1a1: {  	s3 =	simm.s32 $0x1  }
0x1a2: {  	_ =	swait.ge [sflag:s3], $0x1000  }
0x1a3: {  	[sflag:s3] =	ssyncset.done $0x0  }
0x1a4: {  	[sflag:s3] =	ssyncadd.s32 $0xFFFFF000  }
0x1a5: {  	_ =	swait.ge [sflag:s3], $0x1000  }
0x1a6: {  	[sflag:s3] =	ssyncset.done $0x0  }
0x1a7: {  	[sflag:s3] =	ssyncadd.s32 $0xFFFFF000  }
0x1a8: {  	_ =	swait.ge [sflag:s3], $0x1000  }
0x1a9: {  	[sflag:s3] =	ssyncset.done $0x0  }
0x1aa: {  	[sflag:s3] =	ssyncadd.s32 $0xFFFFF000  }
0x1ab: {  	_ =	swait.ge [sflag:s3], $0x1000  }
0x1ac: {  	s4 =	simm.s32 $0x0;
	[sflag:s3] =	ssyncset.done $0x0  }
0x1ad: {  	s4 =	sand.u32 $0xFE0, s4;
	[sflag:s3] =	ssyncadd.s32 $0xFFFFF000  }
0x1ae: {  	v2 =	vld [tilespmem:s4+$0xE000]  }
0x1af: {  	v3 =	vld [tilespmem:s4+$0xF000]  }
0x1b0: {  	v4 =	vld [tilespmem:s4+$0xC000];
	_ =	sdelay $0x1  }
0x1b1: {  	v5 =	vld [tilespmem:s4+$0xD000]  }
0x1b2: {  	v6 =	vmul.u32 $0xAAB, v2;
	_ =	sdelay $0x1  }
0x1b3: {  	v7 =	vmul.u32 $0xAAB, v3;
	v4 =	vmul.u32 $0xA200, v4;
	v6 =	vshra.s32 v6, $0xF  }
0x1b4: {  	v8 =	vmul.u32 $0xFFFFFFF4, v6  }
0x1b5: {  	v7 =	vshra.s32 v7, $0xF;
	v4 =	vadd.s32 v4, v5;
	v6 =	vmul.u32 $0x3600, v6  }
0x1b6: {  	v9 =	vmul.u32 $0x7FFFFF4, v7;
	v7 =	vmul.u32 $0x1200, v7;
	v2 =	vadd.s32 v2, v8  }
0x1b7: {  	v4 =	vadd.s32 v6, v4;
	v2 =	vmul.u32 $0x180, v2  }
0x1b8: {  	v3 =	vadd.s32 v3, v9;
	v4 =	vadd.s32 v7, v4  }
0x1b9: {  	v3 =	vshll.u32 v3, $0x5;
	v2 =	vadd.s32 v2, v4  }
0x1ba: {  	v2 =	vadd.s32 v3, v2  }
0x1bb: {  	v3 =	vand.u32 $0x7FF, v2  }
0x1bc: {  	(xrf1) =	vunique.msk.u32 $0xffff, v3;
	_ =	sdelay $0xa  }
0x1bd: {  	s3 =	simm.s32 $0x10000;
	[tilespmem:s4+$0x3000] =	vst v2  }
0x1be: {  	v2 =	vld.idx.msk [tilespmem:v3+s3+$0x0], $0xffff;
	_ =	sdelay $0x1  }
0x1bf: {  	_, v4, vm0 =	vpop (xrf1);
	_ =	sdelay $0x2  }
0x1c0: {  	v2 =	vadd.s32 v1, v2  }
0x1c1: {  	v2 =	vadd.s32 v4, v2  }
0x1c2: {  	[tilespmem:s4+$0x7000] =	vst v2;
	v2 =	vadd.s32 v0, v4  }
0x1c3: {  	s5 =	simm.s32 $0x3010;
	[tilespmem:v3+s3+$0x0] =	vst.idx.add.s32.msk vm0, v2  }
0x1c4: {  	v2 =	vld [tilespmem:s5+$0xB000]  }
0x1c5: {  	v3 =	vld [tilespmem:s5+$0xC000]  }
0x1c6: {  	v4 =	vld [tilespmem:s5+$0x9000];
	_ =	sdelay $0x1  }
0x1c7: {  	v5 =	vld [tilespmem:s5+$0xA000]  }
0x1c8: {  	v60 =	vmul.u32 $0xAAB, v2;
	_ =	sdelay $0x1  }
0x1c9: {  	v61 =	vmul.u32 $0xAAB, v3;
	v4 =	vmul.u32 $0xA200, v4;
	v6 =	vshra.s32 v60, $0xF  }
0x1ca: {  	v62 =	vmul.u32 $0xFFFFFFF4, v6  }
0x1cb: {  	v7 =	vshra.s32 v61, $0xF;
	v4 =	vadd.s32 v4, v5;
	v6 =	vmul.u32 $0x3600, v6  }
0x1cc: {  	v63 =	vmul.u32 $0x7FFFFF4, v7;
	v7 =	vmul.u32 $0x1200, v7;
	v2 =	vadd.s32 v2, v62  }
0x1cd: {  	v4 =	vadd.s32 v6, v4;
	v2 =	vmul.u32 $0x180, v2  }
0x1ce: {  	v3 =	vadd.s32 v3, v63;
	v4 =	vadd.s32 v7, v4  }
0x1cf: {  	v3 =	vshll.u32 v3, $0x5;
	v2 =	vadd.s32 v2, v4  }
0x1d0: {  	v3 =	vadd.s32 v3, v2  }
0x1d1: {  	v2 =	vand.u32 $0x7FF, v3  }
0x1d2: {  	(xrf1) =	vunique.msk.u32 $0xffff, v2;
	_ =	sdelay $0x7  }
0x1d3: {  	[tilespmem:s5+$0x0] =	vst v3  }
0x1d4: {  	v3 =	vld.idx.msk [tilespmem:v2+s3+$0x0], $0xffff;
	_ =	sdelay $0x4  }
0x1d5: {  	v4 =	vadd.s32 v1, v3;
	_, v3, vm0 =	vpop (xrf1)  }
0x1d6: {  	v4 =	vadd.s32 v3, v4  }
0x1d7: {  	s6 =	simm.s32 $0xC140;
	s4 =	simm.s32 $0xC0C0;
	[tilespmem:s5+$0x4000] =	vst v4;
	s5 =	simm.s32 $0x20  }
.LBB2_10:
0x1d8: {  	p0 =	sne.s32 s6, $0xFFC0  }
0x1d9: {  	s8 =	sand.u32 $0xFE0, s5;
	s7 =	smov.u32 s6;
	s6 =	sadd.s32 $0x80, s6  }
0x1da: {  	v3 =	vadd.s32 v0, v3;
	_ =	sdelay $0x1  }
0x1db: {  	[tilespmem:v2+s3+$0x0] =	vst.idx.add.s32.msk vm0, v3  }
0x1dc: {  	v2 =	vld [tilespmem:s8+$0xE000]  }
0x1dd: {  	v3 =	vld [tilespmem:s8+$0xF000]  }
0x1de: {  	v4 =	vld [tilespmem:s8+$0xC000];
	_ =	sdelay $0x1  }
0x1df: {  	v5 =	vld [tilespmem:s8+$0xD000]  }
0x1e0: {  	v6 =	vmul.u32 $0xAAB, v2  }
0x1e1: {  	v7 =	vmul.u32 $0xAAB, v3  }
0x1e2: {  	v6 =	vshra.s32 v6, $0xF;
	v4 =	vmul.u32 $0xA200, v4  }
0x1e3: {  	v8 =	vmul.u32 $0xFFFFFFF4, v6;
	v7 =	vshra.s32 v7, $0xF;
	v6 =	vmul.u32 $0x3600, v6  }
0x1e4: {  	v9 =	vmul.u32 $0x7FFFFF4, v7;
	v7 =	vmul.u32 $0x1200, v7;
	v4 =	vadd.s32 v4, v5  }
0x1e5: {  	v2 =	vadd.s32 v2, v8;
	v4 =	vadd.s32 v6, v4  }
0x1e6: {  	v3 =	vadd.s32 v3, v9;
	v2 =	vmul.u32 $0x180, v2;
	v4 =	vadd.s32 v7, v4  }
0x1e7: {  	v3 =	vshll.u32 v3, $0x5  }
0x1e8: {  	v2 =	vadd.s32 v2, v4  }
0x1e9: {  	v2 =	vadd.s32 v3, v2  }
0x1ea: {  	v3 =	vand.u32 $0x7FF, v2  }
0x1eb: {  	(xrf1) =	vunique.msk.u32 $0xffff, v3;
	_ =	sdelay $0x6  }
0x1ec: {  	[tilespmem:s8+$0x3000] =	vst v2  }
0x1ed: {  	v2 =	vld.idx.msk [tilespmem:v3+s3+$0x0], $0xffff;
	_ =	sdelay $0x5  }
0x1ee: {  	v2 =	vadd.s32 v1, v2;
	_, v4, vm0 =	vpop (xrf1)  }
0x1ef: {  	v2 =	vadd.s32 v4, v2;
	_ =	sdelay $0x2  }
0x1f0: {  	[tilespmem:s8+$0x7000] =	vst v2;
	v2 =	vadd.s32 v0, v4  }
0x1f1: {  	s8 =	sshra.s32 s4, $0x2;
	s4 =	smov.u32 s7  }
0x1f2: {  	[tilespmem:v3+s3+$0x0] =	vst.idx.add.s32.msk vm0, v2  }
0x1f3: {  	v2 =	vld [tilespmem:s8+$0xB000]  }
0x1f4: {  	v3 =	vld [tilespmem:s8+$0xC000]  }
0x1f5: {  	v4 =	vld [tilespmem:s8+$0x9000];
	_ =	sdelay $0x1  }
0x1f6: {  	v5 =	vld [tilespmem:s8+$0xA000]  }
0x1f7: {  	v6 =	vmul.u32 $0xAAB, v2  }
0x1f8: {  	v7 =	vmul.u32 $0xAAB, v3  }
0x1f9: {  	v6 =	vshra.s32 v6, $0xF;
	v4 =	vmul.u32 $0xA200, v4  }
0x1fa: {  	v8 =	vmul.u32 $0xFFFFFFF4, v6;
	v7 =	vshra.s32 v7, $0xF;
	v6 =	vmul.u32 $0x3600, v6  }
0x1fb: {  	v9 =	vmul.u32 $0x7FFFFF4, v7;
	v7 =	vmul.u32 $0x1200, v7;
	v4 =	vadd.s32 v4, v5  }
0x1fc: {  	v2 =	vadd.s32 v2, v8;
	v4 =	vadd.s32 v6, v4  }
0x1fd: {  	v3 =	vadd.s32 v3, v9;
	v2 =	vmul.u32 $0x180, v2;
	v4 =	vadd.s32 v7, v4  }
0x1fe: {  	v3 =	vshll.u32 v3, $0x5  }
0x1ff: {  	v2 =	vadd.s32 v2, v4  }
0x200: {  	v2 =	vadd.s32 v3, v2  }
0x201: {  	[tilespmem:s8+$0x0] =	vst v2;
	v2 =	vand.u32 $0x7FF, v2  }
0x202: {  	(xrf1) =	vunique.msk.u32 $0xffff, v2;
	_ =	sdelay $0x3  }
0x203: {  	v3 =	vld.idx.msk [tilespmem:v2+s3+$0x0], $0xffff;
	_ =	sdelay $0x7  }
.Ltmp5:
0x204: {  	(pc) =	sbr.rel @p0 .LBB2_10-.Ltmp5, $4  }
0x205: {  	_ = 	snop  }
0x206: {  	v4 =	vadd.s32 v1, v3;
	_, v3, vm0 =	vpop (xrf1)  }
0x207: {  	v4 =	vadd.s32 v3, v4  }
0x208: {  	s5 =	sadd.s32 $0x20, s5;
	[tilespmem:s8+$0x4000] =	vst v4  }
0x209: {  	_ =	sdelay $0x3  }
0x20a: {  	v3 =	vadd.s32 v0, v3  }
0x20b: {  	s5 =	sand.u32 $0xFE0, s5;
	[tilespmem:v2+s3+$0x0] =	vst.idx.add.s32.msk vm0, v3  }
0x20c: {  	v2 =	vld [tilespmem:s5+$0xE000]  }
0x20d: {  	v3 =	vld [tilespmem:s5+$0xF000]  }
0x20e: {  	v4 =	vld [tilespmem:s5+$0xC000];
	_ =	sdelay $0x1  }
0x20f: {  	v5 =	vld [tilespmem:s5+$0xD000]  }
0x210: {  	v6 =	vmul.u32 $0xAAB, v2;
	_ =	sdelay $0x1  }
0x211: {  	v7 =	vmul.u32 $0xAAB, v3;
	v4 =	vmul.u32 $0xA200, v4;
	v6 =	vshra.s32 v6, $0xF  }
0x212: {  	v8 =	vmul.u32 $0xFFFFFFF4, v6  }
0x213: {  	v7 =	vshra.s32 v7, $0xF;
	v4 =	vadd.s32 v4, v5;
	v6 =	vmul.u32 $0x3600, v6  }
0x214: {  	v9 =	vmul.u32 $0x7FFFFF4, v7;
	v7 =	vmul.u32 $0x1200, v7;
	v2 =	vadd.s32 v2, v8  }
0x215: {  	v4 =	vadd.s32 v6, v4;
	v2 =	vmul.u32 $0x180, v2  }
0x216: {  	v3 =	vadd.s32 v3, v9;
	v4 =	vadd.s32 v7, v4  }
0x217: {  	v3 =	vshll.u32 v3, $0x5;
	v2 =	vadd.s32 v2, v4  }
0x218: {  	v2 =	vadd.s32 v3, v2  }
0x219: {  	v3 =	vand.u32 $0x7FF, v2  }
0x21a: {  	(xrf1) =	vunique.msk.u32 $0xffff, v3;
	_ =	sdelay $0xa  }
0x21b: {  	[tilespmem:s5+$0x3000] =	vst v2  }
0x21c: {  	v2 =	vld.idx.msk [tilespmem:v3+s3+$0x0], $0xffff;
	_ =	sdelay $0x1  }
0x21d: {  	_, v53, vm14 =	vpop (xrf1);
	_ =	sdelay $0x2  }
0x21e: {  	v2 =	vadd.s32 v1, v2  }
0x21f: {  	v2 =	vadd.s32 v53, v2  }
0x220: {  	v54 =	vadd.s32 v0, v53;
	[tilespmem:s5+$0x7000] =	vst v2  }
0x221: {  	s4 =	sshra.s32 s4, $0x2;
	[tilespmem:v3+s3+$0x0] =	vst.idx.add.s32.msk vm14, v54  }
0x222: {  	v2 =	vld [tilespmem:s4+$0xB000]  }
0x223: {  	v3 =	vld [tilespmem:s4+$0xC000]  }
0x224: {  	v55 =	vld [tilespmem:s4+$0x9000];
	_ =	sdelay $0x1  }
0x225: {  	v56 =	vld [tilespmem:s4+$0xA000]  }
0x226: {  	v57 =	vmul.u32 $0xAAB, v2;
	_ =	sdelay $0x1  }
0x227: {  	v58 =	vmul.u32 $0xAAB, v3;
	v4 =	vmul.u32 $0xA200, v55;
	v6 =	vshra.s32 v57, $0xF  }
0x228: {  	v59 =	vmul.u32 $0xFFFFFFF4, v6  }
0x229: {  	v7 =	vshra.s32 v58, $0xF;
	v4 =	vadd.s32 v4, v56;
	v6 =	vmul.u32 $0x3600, v6  }
0x22a: {  	v60 =	vmul.u32 $0x7FFFFF4, v7;
	v7 =	vmul.u32 $0x1200, v7;
	v2 =	vadd.s32 v2, v59  }
0x22b: {  	v4 =	vadd.s32 v6, v4;
	v2 =	vmul.u32 $0x180, v2  }
0x22c: {  	v3 =	vadd.s32 v3, v60;
	v4 =	vadd.s32 v7, v4  }
0x22d: {  	v3 =	vshll.u32 v3, $0x5;
	v2 =	vadd.s32 v2, v4  }
0x22e: {  	v2 =	vadd.s32 v3, v2  }
0x22f: {  	v3 =	vand.u32 $0x7FF, v2  }
0x230: {  	(xrf1) =	vunique.msk.u32 $0xffff, v3;
	_ =	sdelay $0xa  }
0x231: {  	[tilespmem:s4+$0x0] =	vst v2  }
0x232: {  	v2 =	vld.idx.msk [tilespmem:v3+s3+$0x0], $0xffff;
	_ =	sdelay $0x1  }
0x233: {  	_, v61, vm15 =	vpop (xrf1);
	_ =	sdelay $0x2  }
0x234: {  	v62 =	vadd.s32 v1, v2  }
0x235: {  	v1 =	vadd.s32 v61, v62  }
0x236: {  	v63 =	vadd.s32 v0, v61;
	[tilespmem:s4+$0x4000] =	vst v1  }
0x237: {  	s30 =	simm.s32 $0x10000;
	s31 =	simm.s32 $0x2;
	[tilespmem:v3+s3+$0x0] =	vst.idx.add.s32.msk vm15, v63  }
0x238: {  	[spmem:s2] =	stream.linear.scatter [tilespmem:s30], [sflag:$0x2], $0x800, $0x38;
	[tilespmem:$0x11000] =	vst v63  }
0x239: {  	_ =	swait.ge [sflag:s31], $0x800  }
0x23a: {  	[sflag:s31] =	ssyncset.done $0x0  }
0x23b: {  	[sflag:s31] =	ssyncadd.s32 $0xFFFFF800  }
0x23c: {  	[bflag:$0x0] =	sbarrier.arrive $0xFFFF  }
.LBB2_12:
0x23d: {  	_ =	sfence.sel $0x180000  }
0x23e: {  	[bflag:$0x0] =	sbarrier.arrive $0xFFFF  }
0x23f: {  	p0 =	sne.s32 s1, $0x0;
	_ =	strace $0x90000047  }
0x240: {  	s0 =	sadd.s32 @!p0 $0x100000, s0;
	[bflag:$0x2] =	sbarrier.arrive $0xFFFF  }
0x241: {  	[sflag:s0] =	ssyncadd.tile.s32 @!p0 $0x1;
	_ =	shalt  }
.Lfunc_end2:
_tile_overlayer_lowered:
.L_overlay_start_2:
0x242: {  	(tag) =	ssettag $0x2  }
0x243: {  	s0 =	rddreg [dreg:$0x0];
	s2 =	stileid.u32  }
0x244: {  	s1 =	rddreg [dreg:$0x1];
	p0 =	sne.s32 s2, $0x0  }
0x245: {  	s3 =	rddreg [dreg:$0x2];
	[bflag:$0x3] =	sbarrier.arrive $0xFFFF;
	s2 =	simm.s32 @!p0 $0x1C02  }
0x246: {  	[timem:s3], [sflag:s2] =	dma.local @!p0 [hbm:s0], s1  }
0x247: {  	s0 =	simm.s32 @!p0 $0x2  }
0x248: {  	_ =	swait.ge @!p0 [sflag:s0], s1  }
0x249: {  	s1 =	ssub.s32 @!p0 $0x0, s1;
	[sflag:s0] =	ssyncset.done @!p0 $0x0  }
0x24a: {  	[sflag:s0] =	ssyncadd.s32 @!p0 s1  }
0x24b: {  	[bflag:$0x3] =	sbarrier.arrive $0xFFFF  }
0x24c: {  	_ =	shalt  }

</sc_bundles>
